<compile_context>
chip_gen: v7x
topology: tpu7x:2x2x1
jax: 0.10.2.dev20260603
libtpu: 0.0.44.dev20260713+nightly
codegen_flags: <defaults>
</compile_context>

<pallas_src>
import functools

import jax
import jax.numpy as jnp
from jax import lax
from jax.experimental import pallas as pl
from jax.experimental.pallas import tpu as pltpu
from jax.experimental.pallas import tpu_sc as plsc

R = 0.0625
R2 = R * R
K = 32
N = 16384
F = 128
H1 = 64
OUT = 128
S = 4096
BC = 64
CC = 128
NW = 32
GCH = 128
GW = 128

_INF = float("inf")



def _fps_body(px_ref, py_ref, pz_ref, sel_ref, cx_ref, cy_ref, cz_ref):
    px = px_ref[...]
    py = py_ref[...]
    pz = pz_ref[...]
    fi = (lax.broadcasted_iota(jnp.int32, (128, 128), 0) * 128
          + lax.broadcasted_iota(jnp.int32, (128, 128), 1))
    fo = (lax.broadcasted_iota(jnp.int32, (32, 128), 0) * 128
          + lax.broadcasted_iota(jnp.int32, (32, 128), 1))

    def extract(last):
        eq = fi == last
        lx = jnp.max(jnp.where(eq, px, -_INF))
        ly = jnp.max(jnp.where(eq, py, -_INF))
        lz = jnp.max(jnp.where(eq, pz, -_INF))
        return lx, ly, lz

    def body(i, st):
        dmin, sel, cx, cy, cz, last = st
        lx, ly, lz = extract(last)
        dx = px - lx
        dy = py - ly
        dz = pz - lz
        d = (dx * dx + dz * dz) + dy * dy
        dmin = jnp.minimum(dmin, d)
        m = jnp.max(dmin)
        nxt = jnp.min(jnp.where(dmin == m, fi, 2 ** 30))
        prev = fo == (i - 1)
        cx = jnp.where(prev, lx, cx)
        cy = jnp.where(prev, ly, cy)
        cz = jnp.where(prev, lz, cz)
        sel = jnp.where(fo == i, nxt, sel)
        return (dmin, sel, cx, cy, cz, nxt)

    init = (jnp.full((128, 128), _INF, jnp.float32),
            jnp.zeros((32, 128), jnp.int32),
            jnp.zeros((32, 128), jnp.float32),
            jnp.zeros((32, 128), jnp.float32),
            jnp.zeros((32, 128), jnp.float32),
            jnp.int32(0))
    _, sel, cx, cy, cz, last = lax.fori_loop(1, S, body, init)
    lx, ly, lz = extract(last)
    fin = fo == (S - 1)
    cx_ref[...] = jnp.where(fin, lx, cx)
    cy_ref[...] = jnp.where(fin, ly, cy)
    cz_ref[...] = jnp.where(fin, lz, cz)
    sel_ref[...] = sel


def _run_fps(px, py, pz):
    out = (jax.ShapeDtypeStruct((32, 128), jnp.int32),
           jax.ShapeDtypeStruct((32, 128), jnp.float32),
           jax.ShapeDtypeStruct((32, 128), jnp.float32),
           jax.ShapeDtypeStruct((32, 128), jnp.float32))
    return pl.pallas_call(_fps_body, out_shape=out)(px, py, pz)



def _prep_body(x_ref, pxc_ref, pyc_ref, pzc_ref, w1a_ref, wbx_ref, wby_ref,
               wbz_ref, b1_ref, a_ref):
    a = jnp.dot(x_ref[...], w1a_ref[...], preferred_element_type=jnp.float32)
    a = a + pxc_ref[...] * wbx_ref[...]
    a = a + pyc_ref[...] * wby_ref[...]
    a = a + pzc_ref[...] * wbz_ref[...]
    a = a + b1_ref[...]
    a_ref[...] = jnp.concatenate(
        [a, jnp.zeros((a.shape[0], GW - H1), jnp.float32)], axis=1)


_RB = 2048


def _run_prep(x, pxc, pyc, pzc, w1a, wbx, wby, wbz, b1row):
    grid = N // _RB
    xspec = pl.BlockSpec((_RB, F), lambda i: (i, 0))
    colspec = pl.BlockSpec((_RB, 1), lambda i: (i, 0))
    waspec = pl.BlockSpec((F, H1), lambda i: (0, 0))
    wrow = pl.BlockSpec((1, H1), lambda i: (0, 0))
    ospec = pl.BlockSpec((_RB, GW), lambda i: (i, 0))
    return pl.pallas_call(
        _prep_body,
        grid=(grid,),
        in_specs=[xspec, colspec, colspec, colspec, waspec, wrow, wrow,
                  wrow, wrow],
        out_specs=ospec,
        out_shape=jax.ShapeDtypeStruct((N, GW), jnp.float32),
    )(x, pxc, pyc, pzc, w1a, wbx, wby, wbz, b1row)



def _nbr_body(cx_ref, cy_ref, cz_ref, px_ref, py_ref, pz_ref,
              nbr_ref, vld_ref, d2_ref):
    cx = cx_ref[...]
    cy = cy_ref[...]
    cz = cz_ref[...]
    px = px_ref[...]
    py = py_ref[...]
    pz = pz_ref[...]
    c2 = (cx * cx + cz * cz) + cy * cy
    p2 = (px * px + pz * pz) + py * py
    cbx = cx.astype(jnp.bfloat16).astype(jnp.float32)
    cby = cy.astype(jnp.bfloat16).astype(jnp.float32)
    cbz = cz.astype(jnp.bfloat16).astype(jnp.float32)
    pbx = px.astype(jnp.bfloat16).astype(jnp.float32)
    pby = py.astype(jnp.bfloat16).astype(jnp.float32)
    pbz = pz.astype(jnp.bfloat16).astype(jnp.float32)
    mm = (cbx * pbx + cby * pby) + cbz * pbz
    d2 = (c2 + p2) - 2.0 * mm
    d2_ref[...] = jnp.where(d2 < R2, d2, _INF)
    lane = lax.broadcasted_iota(jnp.int32, (BC, N), 1)
    kio = lax.broadcasted_iota(jnp.int32, (BC, K), 1)

    def body(k, st):
        nbr, vld = st
        d2m = d2_ref[...]
        m = jnp.min(d2m, axis=1, keepdims=True)
        amin = jnp.min(jnp.where(d2m == m, lane, 2 ** 30), axis=1,
                       keepdims=True)
        ok = (m < R2).astype(jnp.int32)
        sel = kio == k
        nbr = jnp.where(sel, amin, nbr)
        vld = jnp.where(sel, ok, vld)
        d2_ref[...] = jnp.where(lane == amin, _INF, d2m)
        return (nbr, vld)

    nbr, vld = lax.fori_loop(
        0, K, body,
        (jnp.zeros((BC, K), jnp.int32), jnp.zeros((BC, K), jnp.int32)))
    nbr_ref[...] = nbr
    vld_ref[...] = vld


def _run_nbr(cxc, cyc, czc, pxr, pyr, pzr):
    grid = S // BC
    cspec = pl.BlockSpec((BC, 1), lambda i: (i, 0))
    pspec = pl.BlockSpec((1, N), lambda i: (0, 0))
    ospec = pl.BlockSpec((BC, K), lambda i: (i, 0))
    return pl.pallas_call(
        _nbr_body,
        grid=(grid,),
        in_specs=[cspec, cspec, cspec, pspec, pspec, pspec],
        out_specs=[ospec, ospec],
        out_shape=[jax.ShapeDtypeStruct((S, K), jnp.int32),
                   jax.ShapeDtypeStruct((S, K), jnp.int32)],
        scratch_shapes=[pltpu.VMEM((BC, N), jnp.float32)],
    )(cxc, cyc, czc, pxr, pyr, pzr)



def _sc_gather(a, idxflat):
    mesh = plsc.VectorSubcoreMesh(core_axis_name="c", subcore_axis_name="s")
    rows_per_w = (S * K) // NW
    steps = rows_per_w // GCH

    @functools.partial(
        pl.kernel,
        mesh=mesh,
        out_type=jax.ShapeDtypeStruct((S * K, GW), jnp.float32),
        scratch_types=[
            pltpu.VMEM((GCH,), jnp.int32),
            pltpu.VMEM((GCH, GW), jnp.float32),
            pltpu.SemaphoreType.DMA,
        ],
    )
    def gather_k(a_hbm, idx_hbm, out_hbm, idx_v, rows_v, sem):
        wid = lax.axis_index("s") * 2 + lax.axis_index("c")
        base = wid * rows_per_w

        def step(j, carry):
            off = base + j * GCH
            pltpu.sync_copy(idx_hbm.at[pl.ds(off, GCH)], idx_v)
            pltpu.async_copy(a_hbm.at[idx_v], rows_v, sem).wait()
            pltpu.sync_copy(rows_v, out_hbm.at[pl.ds(off, GCH)])
            return carry

        lax.fori_loop(0, steps, step, jnp.int32(0))

    return gather_k(a, idxflat)



def _conv_body(g_ref, cxe_ref, cye_ref, cze_ref, wbx_ref, wby_ref, wbz_ref,
               w2_ref, b2_ref, vldf_ref, vld_ref, out_ref):
    w = (cxe_ref[...] * wbx_ref[...] + cye_ref[...] * wby_ref[...]
         + cze_ref[...] * wbz_ref[...])
    h1 = jnp.maximum(g_ref[:, :H1] - w, 0.0)
    h2 = jnp.dot(h1, w2_ref[...],
                 preferred_element_type=jnp.float32) + b2_ref[...]
    pen = jnp.where(vldf_ref[...] != 0, 0.0, -_INF)
    h3 = (h2 + pen).reshape(CC, K, OUT)
    o = jnp.max(h3, axis=1)
    rowany = jnp.max(vld_ref[...], axis=1, keepdims=True)
    out_ref[...] = jnp.where(rowany != 0, o, 0.0)


def _run_conv(g, cxe, cye, cze, wbx, wby, wbz, W2, b2row, vldf, vld):
    grid = S // CC
    gspec = pl.BlockSpec((CC * K, GW), lambda i: (i, 0))
    espec = pl.BlockSpec((CC * K, 1), lambda i: (i, 0))
    wrow = pl.BlockSpec((1, H1), lambda i: (0, 0))
    w2spec = pl.BlockSpec((H1, OUT), lambda i: (0, 0))
    b2spec = pl.BlockSpec((1, OUT), lambda i: (0, 0))
    vspec = pl.BlockSpec((CC, K), lambda i: (i, 0))
    ospec = pl.BlockSpec((CC, OUT), lambda i: (i, 0))
    return pl.pallas_call(
        _conv_body,
        grid=(grid,),
        in_specs=[gspec, espec, espec, espec, wrow, wrow, wrow, w2spec,
                  b2spec, espec, vspec],
        out_specs=ospec,
        out_shape=jax.ShapeDtypeStruct((S, OUT), jnp.float32),
    )(g, cxe, cye, cze, wbx, wby, wbz, W2, b2row, vldf, vld)



def kernel(x, pos, batch, W1, b1, W2, b2):
    px = pos[:, 0].reshape(128, 128)
    py = pos[:, 1].reshape(128, 128)
    pz = pos[:, 2].reshape(128, 128)

    sel, cx, cy, cz = _run_fps(px, py, pz)
    idx = sel.reshape(S)
    cxc = cx.reshape(S, 1)
    cyc = cy.reshape(S, 1)
    czc = cz.reshape(S, 1)
    centers = jnp.concatenate([cxc, cyc, czc], axis=1)

    w1a = W1[:F]
    wbx = W1[F].reshape(1, H1)
    wby = W1[F + 1].reshape(1, H1)
    wbz = W1[F + 2].reshape(1, H1)
    b1row = b1.reshape(1, H1)
    a = _run_prep(x, pos[:, 0].reshape(N, 1), pos[:, 1].reshape(N, 1),
                  pos[:, 2].reshape(N, 1), w1a, wbx, wby, wbz, b1row)

    nbr, vld = _run_nbr(cxc, cyc, czc, pos[:, 0].reshape(1, N),
                        pos[:, 1].reshape(1, N), pos[:, 2].reshape(1, N))

    g = _sc_gather(a, nbr.reshape(S * K))

    cxe = jnp.repeat(cxc, K, axis=0)
    cye = jnp.repeat(cyc, K, axis=0)
    cze = jnp.repeat(czc, K, axis=0)
    vldf = vld.reshape(S * K, 1)
    out = _run_conv(g, cxe, cye, cze, wbx, wby, wbz, W2,
                    b2.reshape(1, OUT), vldf, vld)
    return (out, centers, batch[idx])

# --- scband reference (transcript-rebuilt; emitter-appended) ---
"""Pipeline reference for scband-set-conv-layer-59098749993249 (READ-ONLY COPY).

The authoritative reference and input builder live on the scoring server;
editing this copy changes nothing except your own understanding.
"""

import jax, jax.numpy as jnp
import numpy as np

R = 0.0625
SAMPLE_RATE = 0.25
MAX_NEIGHBORS = 32  # torch_geometric.nn.radius default max_num_neighbors
N, F = 16384, 128
H1, OUT = 64, 128


def setup_inputs(seed: int = 0) -> dict:
    key = jax.random.key(seed)
    k1, k2, k3, k4 = jax.random.split(key, 4)
    x = jax.random.normal(k1, (N, F), dtype=jnp.float32)
    pos = jax.random.uniform(k2, (N, 3), dtype=jnp.float32)
    batch = jnp.zeros((N,), dtype=jnp.int32)
    W1 = jax.random.normal(k3, (F + 3, H1), dtype=jnp.float32) * 0.05
    b1 = jnp.zeros((H1,), dtype=jnp.float32)
    W2 = jax.random.normal(k4, (H1, OUT), dtype=jnp.float32) * 0.05
    b2 = jnp.zeros((OUT,), dtype=jnp.float32)
    return {"x": x, "pos": pos, "batch": batch, "W1": W1, "b1": b1, "W2": W2, "b2": b2}


def fps(pos, n_samples):
    # farthest point sampling, deterministic start at index 0 (single batch)
    n = pos.shape[0]
    idxs = jnp.zeros((n_samples,), dtype=jnp.int32)
    dists = jnp.full((n,), jnp.inf, dtype=jnp.float32)

    def body(i, state):
        dists, idxs = state
        last = pos[idxs[i - 1]]
        d = jnp.sum((pos - last[None, :]) ** 2, axis=1)
        dists = jnp.minimum(dists, d)
        nxt = jnp.argmax(dists).astype(jnp.int32)
        idxs = idxs.at[i].set(nxt)
        return (dists, idxs)

    dists, idxs = jax.lax.fori_loop(1, n_samples, body, (dists, idxs))
    return idxs


def radius_neighbors(centers, pos):
    # squared distances [S, N] without S*N*3 broadcast
    c2 = jnp.sum(centers ** 2, axis=1, keepdims=True)
    p2 = jnp.sum(pos ** 2, axis=1)[None, :]
    d2 = c2 + p2 - 2.0 * centers @ pos.T
    within = d2 < R * R
    neg = jnp.where(within, -d2, -jnp.inf)
    vals, nbr = jax.lax.top_k(neg, MAX_NEIGHBORS)  # nearest <=32 within radius
    valid = vals > -jnp.inf
    return nbr, valid


def reference(x, pos, batch, W1, b1, W2, b2):
    n_samples = int(pos.shape[0] * SAMPLE_RATE)
    idx = fps(pos, n_samples)
    centers = pos[idx]
    nbr, valid = radius_neighbors(centers, pos)  # [S, K]
    # PointConv message: mlp(concat(x_j, pos_j - pos_i)), max aggregation
    xj = x[nbr]                                   # [S, K, F] gather
    rel = pos[nbr] - centers[:, None, :]          # [S, K, 3]
    msg = jnp.concatenate([xj, rel], axis=-1)     # [S, K, F+3]
    h = jax.nn.relu(msg @ W1 + b1[None, None, :])
    h = h @ W2 + b2[None, None, :]                # [S, K, OUT]
    h = jnp.where(valid[:, :, None], h, -jnp.inf)
    out = jnp.max(h, axis=1)
    any_valid = jnp.any(valid, axis=1)
    out = jnp.where(any_valid[:, None], out, 0.0)
    return (out, centers, batch[idx])

if __name__ == "__main__":
    import jax
    _d = setup_inputs()
    print(jax.jit(kernel)(*tuple(_d.values())))

</pallas_src>

<mosaic_0001>
#map = affine_map<(d0, d1) -> (0, 0)>
#map1 = affine_map<(d0, d1) -> (0)>
module attributes {stable_mosaic.version = 14 : i64} {
  func.func @gather_k(%arg0: i32, %arg1: i32, %arg2: memref<16384x128xf32, #tpu.memory_space<hbm>>, %arg3: memref<131072xi32, #tpu.memory_space<hbm>>, %arg4: memref<131072x128xf32, #tpu.memory_space<hbm>>, %arg5: memref<128xi32, #tpu.memory_space<vmem>>, %arg6: memref<128x128xf32, #tpu.memory_space<vmem>>, %arg7: memref<!tpu.dma_semaphore, #tpu.memory_space<semaphore_mem>>) attributes {dimension_semantics = [#tpu.dimension_semantics<core_parallel>, #tpu.dimension_semantics<subcore_parallel>], iteration_bounds = array<i64: 2, 16>, scalar_prefetch = 0 : i64, scratch_operands = 3 : i64, tpu.core_type = #tpu.core_type<sc_vector_subcore>, window_params = [{transform_indices = #map}, {transform_indices = #map1}, {transform_indices = #map}]} {
    %mul3A = arith.constant 2 : i32
    %mul3A_0 = arith.muli %arg1, %mul3A : i32
    %add3A = arith.addi %mul3A_0, %arg0 : i32
    %mul3A_1 = arith.constant 4096 : i32
    %mul3A_2 = arith.muli %add3A, %mul3A_1 : i32
    %scan3A = arith.constant 0 : i32
    %scan3A_3 = arith.constant 0 : i32
    %scan3A_4 = arith.constant 32 : i32
    %scan3A_5 = arith.addi %scan3A_3, %scan3A_4 : i32
    %scan3A_6 = arith.constant 1 : i32
    scf.for %scan3A_8 = %scan3A_3 to %scan3A_5 step %scan3A_6  : i32 {
      %mul3A_9 = arith.constant 128 : i32
      %mul3A_10 = arith.muli %scan3A_8, %mul3A_9 : i32
      %add3A_11 = arith.addi %mul3A_2, %mul3A_10 : i32
      "tpu.region"() ({
        %run_scoped3A = tpu.sem_alloc : memref<!tpu.dma_semaphore, #tpu.memory_space<semaphore_mem>>
        %dma_start3A_16 = tpu.memref_slice %arg3[%add3A_11] : memref<131072xi32, #tpu.memory_space<hbm>> -> memref<128xi32, #tpu.memory_space<hbm>>
        %dma_start3A_17 = tpu.memref_slice %arg3[%add3A_11] : memref<131072xi32, #tpu.memory_space<hbm>> -> memref<128xi32, #tpu.memory_space<hbm>>
        tpu.enqueue_dma source(%dma_start3A_17 : memref<128xi32, #tpu.memory_space<hbm>>) target(%arg5 : memref<128xi32, #tpu.memory_space<vmem>>) target_semaphore(%run_scoped3A : memref<!tpu.dma_semaphore, #tpu.memory_space<semaphore_mem>>)
        %dma_wait3A_18 = tpu.memref_slice %arg3[%add3A_11] : memref<131072xi32, #tpu.memory_space<hbm>> -> memref<128xi32, #tpu.memory_space<hbm>>
        %dma_wait3A_19 = tpu.memref_slice %arg3[%add3A_11] : memref<131072xi32, #tpu.memory_space<hbm>> -> memref<128xi32, #tpu.memory_space<hbm>>
        tpu.wait_dma2 semaphore(%run_scoped3A : memref<!tpu.dma_semaphore, #tpu.memory_space<semaphore_mem>>) src(%dma_wait3A_19 : memref<128xi32, #tpu.memory_space<hbm>>) dst(%arg5 : memref<128xi32, #tpu.memory_space<vmem>>)
        tpu.yield
      }) : () -> ()
      %dma_start3A = arith.constant 0 : i32
      %dma_start3A_12 = arith.constant 0 : i32
      %dma_start3A_13 = tpu.memref_slice %arg2[%dma_start3A, %dma_start3A_12] : memref<16384x128xf32, #tpu.memory_space<hbm>> -> memref<16384x128xf32, #tpu.memory_space<hbm>>
      tpu.enqueue_indirect_dma source(%dma_start3A_13 : memref<16384x128xf32, #tpu.memory_space<hbm>>) target(%arg6 : memref<128x128xf32, #tpu.memory_space<vmem>>) offsets(%arg5 : memref<128xi32, #tpu.memory_space<vmem>>) semaphore(%arg7 : memref<!tpu.dma_semaphore, #tpu.memory_space<semaphore_mem>>)
      %dma_wait3A = arith.constant 0 : i32
      %dma_wait3A_14 = arith.constant 0 : i32
      %dma_wait3A_15 = tpu.memref_slice %arg2[%dma_wait3A, %dma_wait3A_14] : memref<16384x128xf32, #tpu.memory_space<hbm>> -> memref<16384x128xf32, #tpu.memory_space<hbm>>
      tpu.wait_indirect_dma semaphore(%arg7 : memref<!tpu.dma_semaphore, #tpu.memory_space<semaphore_mem>>) src(%dma_wait3A_15 : memref<16384x128xf32, #tpu.memory_space<hbm>>) dst(%arg6 : memref<128x128xf32, #tpu.memory_space<vmem>>)
      "tpu.region"() ({
        %run_scoped3A = tpu.sem_alloc : memref<!tpu.dma_semaphore, #tpu.memory_space<semaphore_mem>>
        %dma_start3A_16 = arith.constant 0 : i32
        %dma_start3A_17 = tpu.memref_slice %arg4[%add3A_11, %dma_start3A_16] : memref<131072x128xf32, #tpu.memory_space<hbm>> -> memref<128x128xf32, #tpu.memory_space<hbm>>
        %dma_start3A_18 = arith.constant 0 : i32
        %dma_start3A_19 = tpu.memref_slice %arg4[%add3A_11, %dma_start3A_18] : memref<131072x128xf32, #tpu.memory_space<hbm>> -> memref<128x128xf32, #tpu.memory_space<hbm>>
        tpu.enqueue_dma source(%arg6 : memref<128x128xf32, #tpu.memory_space<vmem>>) target(%dma_start3A_19 : memref<128x128xf32, #tpu.memory_space<hbm>>) target_semaphore(%run_scoped3A : memref<!tpu.dma_semaphore, #tpu.memory_space<semaphore_mem>>)
        %dma_wait3A_20 = arith.constant 0 : i32
        %dma_wait3A_21 = tpu.memref_slice %arg4[%add3A_11, %dma_wait3A_20] : memref<131072x128xf32, #tpu.memory_space<hbm>> -> memref<128x128xf32, #tpu.memory_space<hbm>>
        %dma_wait3A_22 = arith.constant 0 : i32
        %dma_wait3A_23 = tpu.memref_slice %arg4[%add3A_11, %dma_wait3A_22] : memref<131072x128xf32, #tpu.memory_space<hbm>> -> memref<128x128xf32, #tpu.memory_space<hbm>>
        tpu.wait_dma2 semaphore(%run_scoped3A : memref<!tpu.dma_semaphore, #tpu.memory_space<semaphore_mem>>) src(%arg6 : memref<128x128xf32, #tpu.memory_space<vmem>>) dst(%dma_wait3A_23 : memref<128x128xf32, #tpu.memory_space<hbm>>)
        tpu.yield
      }) : () -> ()
    }
    %scan3A_7 = arith.constant 32 : i32
    return
  }
}

module attributes {stable_mosaic.version = 14 : i64} {
  func.func @_fps_body(%arg0: memref<128x128xf32, #tpu.memory_space<vmem>>, %arg1: memref<128x128xf32, #tpu.memory_space<vmem>>, %arg2: memref<128x128xf32, #tpu.memory_space<vmem>>, %arg3: memref<32x128xi32, #tpu.memory_space<vmem>>, %arg4: memref<32x128xf32, #tpu.memory_space<vmem>>, %arg5: memref<32x128xf32, #tpu.memory_space<vmem>>, %arg6: memref<32x128xf32, #tpu.memory_space<vmem>>) attributes {dimension_semantics = [], scalar_prefetch = 0 : i64, scratch_operands = 0 : i64, tpu.core_type = #tpu.core_type<tc>} {
    %get3A = arith.constant 0 : index
    %get3A_0 = arith.constant 0 : index
    %get3A_1 = vector.load %arg0[%get3A, %get3A_0] : memref<128x128xf32, #tpu.memory_space<vmem>>, vector<128x128xf32>
    %get3A_2 = arith.constant 0 : index
    %get3A_3 = arith.constant 0 : index
    %get3A_4 = vector.load %arg1[%get3A_2, %get3A_3] : memref<128x128xf32, #tpu.memory_space<vmem>>, vector<128x128xf32>
    %get3A_5 = arith.constant 0 : index
    %get3A_6 = arith.constant 0 : index
    %get3A_7 = vector.load %arg2[%get3A_5, %get3A_6] : memref<128x128xf32, #tpu.memory_space<vmem>>, vector<128x128xf32>
    %iota3A = tpu.iota {dimensions = array<i32: 0>} : vector<128x128xi32>
    %mul3A = arith.constant 128 : i32
    %mul3A_8 = vector.broadcast %mul3A : i32 to vector<128x128xi32>
    %mul3A_9 = arith.muli %iota3A, %mul3A_8 : vector<128x128xi32>
    %iota3A_10 = tpu.iota {dimensions = array<i32: 1>} : vector<128x128xi32>
    %add3A = arith.addi %mul3A_9, %iota3A_10 : vector<128x128xi32>
    %iota3A_11 = tpu.iota {dimensions = array<i32: 0>} : vector<32x128xi32>
    %mul3A_12 = arith.constant 128 : i32
    %mul3A_13 = vector.broadcast %mul3A_12 : i32 to vector<32x128xi32>
    %mul3A_14 = arith.muli %iota3A_11, %mul3A_13 : vector<32x128xi32>
    %iota3A_15 = tpu.iota {dimensions = array<i32: 1>} : vector<32x128xi32>
    %add3A_16 = arith.addi %mul3A_14, %iota3A_15 : vector<32x128xi32>
    %broadcast_in_dim3A = arith.constant 0x7F800000 : f32
    %broadcast_in_dim3A_17 = vector.broadcast %broadcast_in_dim3A : f32 to vector<128x128xf32>
    %broadcast_in_dim3A_18 = arith.constant 0 : i32
    %broadcast_in_dim3A_19 = vector.broadcast %broadcast_in_dim3A_18 : i32 to vector<32x128xi32>
    %broadcast_in_dim3A_20 = arith.constant 0.000000e+00 : f32
    %broadcast_in_dim3A_21 = vector.broadcast %broadcast_in_dim3A_20 : f32 to vector<32x128xf32>
    %broadcast_in_dim3A_22 = arith.constant 0.000000e+00 : f32
    %broadcast_in_dim3A_23 = vector.broadcast %broadcast_in_dim3A_22 : f32 to vector<32x128xf32>
    %broadcast_in_dim3A_24 = arith.constant 0.000000e+00 : f32
    %broadcast_in_dim3A_25 = vector.broadcast %broadcast_in_dim3A_24 : f32 to vector<32x128xf32>
    %scan3A = arith.constant 0 : i32
    %scan3A_26 = arith.constant 1 : i32
    %scan3A_27 = arith.constant 4095 : i32
    %scan3A_28 = arith.addi %scan3A_26, %scan3A_27 : i32
    %scan3A_29 = arith.constant 1 : i32
    %scan3A_30:6 = scf.for %scan3A_74 = %scan3A_26 to %scan3A_28 step %scan3A_29 iter_args(%scan3A_75 = %broadcast_in_dim3A_17, %scan3A_76 = %broadcast_in_dim3A_19, %scan3A_77 = %broadcast_in_dim3A_21, %scan3A_78 = %broadcast_in_dim3A_23, %scan3A_79 = %broadcast_in_dim3A_25, %scan3A_80 = %scan3A) -> (vector<128x128xf32>, vector<32x128xi32>, vector<32x128xf32>, vector<32x128xf32>, vector<32x128xf32>, i32)  : i32 {
      %eq3A_81 = vector.broadcast %scan3A_80 : i32 to vector<128x128xi32>
      %eq3A_82 = arith.cmpi eq, %add3A, %eq3A_81 : vector<128x128xi32>
      %jit3A_83 = arith.constant 0xFF800000 : f32
      %broadcast_in_dim3A_84 = vector.broadcast %jit3A_83 : f32 to vector<128x128xf32>
      %select_n3A_85 = arith.select %eq3A_82, %get3A_1, %broadcast_in_dim3A_84 : vector<128x128xi1>, vector<128x128xf32>
      %reduce_max3A_86 = vector.shape_cast %select_n3A_85 : vector<128x128xf32> to vector<1x128x128xf32>
      %reduce_max3A_87 = arith.constant dense<0xFF800000> : vector<1xf32>
      %reduce_max3A_88 = vector.multi_reduction <maximumf>, %reduce_max3A_86, %reduce_max3A_87 [1, 2] : vector<1x128x128xf32> to vector<1xf32>
      %reduce_max3A_89 = vector.shape_cast %reduce_max3A_88 : vector<1xf32> to vector<1x1x1xf32>
      %reduce_max3A_90 = vector.extract %reduce_max3A_89[0, 0, 0] : f32 from vector<1x1x1xf32>
      %jit3A_91 = arith.constant 0xFF800000 : f32
      %broadcast_in_dim3A_92 = vector.broadcast %jit3A_91 : f32 to vector<128x128xf32>
      %select_n3A_93 = arith.select %eq3A_82, %get3A_4, %broadcast_in_dim3A_92 : vector<128x128xi1>, vector<128x128xf32>
      %reduce_max3A_94 = vector.shape_cast %select_n3A_93 : vector<128x128xf32> to vector<1x128x128xf32>
      %reduce_max3A_95 = arith.constant dense<0xFF800000> : vector<1xf32>
      %reduce_max3A_96 = vector.multi_reduction <maximumf>, %reduce_max3A_94, %reduce_max3A_95 [1, 2] : vector<1x128x128xf32> to vector<1xf32>
      %reduce_max3A_97 = vector.shape_cast %reduce_max3A_96 : vector<1xf32> to vector<1x1x1xf32>
      %reduce_max3A_98 = vector.extract %reduce_max3A_97[0, 0, 0] : f32 from vector<1x1x1xf32>
      %jit3A_99 = arith.constant 0xFF800000 : f32
      %broadcast_in_dim3A_100 = vector.broadcast %jit3A_99 : f32 to vector<128x128xf32>
      %select_n3A_101 = arith.select %eq3A_82, %get3A_7, %broadcast_in_dim3A_100 : vector<128x128xi1>, vector<128x128xf32>
      %reduce_max3A_102 = vector.shape_cast %select_n3A_101 : vector<128x128xf32> to vector<1x128x128xf32>
      %reduce_max3A_103 = arith.constant dense<0xFF800000> : vector<1xf32>
      %reduce_max3A_104 = vector.multi_reduction <maximumf>, %reduce_max3A_102, %reduce_max3A_103 [1, 2] : vector<1x128x128xf32> to vector<1xf32>
      %reduce_max3A_105 = vector.shape_cast %reduce_max3A_104 : vector<1xf32> to vector<1x1x1xf32>
      %reduce_max3A_106 = vector.extract %reduce_max3A_105[0, 0, 0] : f32 from vector<1x1x1xf32>
      %sub3A = vector.broadcast %reduce_max3A_90 : f32 to vector<128x128xf32>
      %sub3A_107 = arith.subf %get3A_1, %sub3A : vector<128x128xf32>
      %sub3A_108 = vector.broadcast %reduce_max3A_98 : f32 to vector<128x128xf32>
      %sub3A_109 = arith.subf %get3A_4, %sub3A_108 : vector<128x128xf32>
      %sub3A_110 = vector.broadcast %reduce_max3A_106 : f32 to vector<128x128xf32>
      %sub3A_111 = arith.subf %get3A_7, %sub3A_110 : vector<128x128xf32>
      %mul3A_112 = arith.mulf %sub3A_107, %sub3A_107 : vector<128x128xf32>
      %mul3A_113 = arith.mulf %sub3A_111, %sub3A_111 : vector<128x128xf32>
      %add3A_114 = arith.addf %mul3A_112, %mul3A_113 : vector<128x128xf32>
      %mul3A_115 = arith.mulf %sub3A_109, %sub3A_109 : vector<128x128xf32>
      %add3A_116 = arith.addf %add3A_114, %mul3A_115 : vector<128x128xf32>
      %min3A = arith.minimumf %scan3A_75, %add3A_116 : vector<128x128xf32>
      %reduce_max3A_117 = vector.shape_cast %min3A : vector<128x128xf32> to vector<1x128x128xf32>
      %reduce_max3A_118 = arith.constant dense<0xFF800000> : vector<1xf32>
      %reduce_max3A_119 = vector.multi_reduction <maximumf>, %reduce_max3A_117, %reduce_max3A_118 [1, 2] : vector<1x128x128xf32> to vector<1xf32>
      %reduce_max3A_120 = vector.shape_cast %reduce_max3A_119 : vector<1xf32> to vector<1x1x1xf32>
      %reduce_max3A_121 = vector.extract %reduce_max3A_120[0, 0, 0] : f32 from vector<1x1x1xf32>
      %eq3A_122 = vector.broadcast %reduce_max3A_121 : f32 to vector<128x128xf32>
      %eq3A_123 = arith.cmpf oeq, %min3A, %eq3A_122 : vector<128x128xf32>
      %jit3A_124 = arith.constant 1073741824 : i32
      %broadcast_in_dim3A_125 = vector.broadcast %jit3A_124 : i32 to vector<128x128xi32>
      %select_n3A_126 = arith.select %eq3A_123, %add3A, %broadcast_in_dim3A_125 : vector<128x128xi1>, vector<128x128xi32>
      %reduce_min3A = vector.shape_cast %select_n3A_126 : vector<128x128xi32> to vector<1x128x128xi32>
      %reduce_min3A_127 = arith.constant dense<2147483647> : vector<1xi32>
      %reduce_min3A_128 = vector.multi_reduction <minsi>, %reduce_min3A, %reduce_min3A_127 [1, 2] : vector<1x128x128xi32> to vector<1xi32>
      %reduce_min3A_129 = vector.shape_cast %reduce_min3A_128 : vector<1xi32> to vector<1x1x1xi32>
      %reduce_min3A_130 = vector.extract %reduce_min3A_129[0, 0, 0] : i32 from vector<1x1x1xi32>
      %sub3A_131 = arith.constant 1 : i32
      %sub3A_132 = arith.subi %scan3A_74, %sub3A_131 : i32
      %eq3A_133 = vector.broadcast %sub3A_132 : i32 to vector<32x128xi32>
      %eq3A_134 = arith.cmpi eq, %add3A_16, %eq3A_133 : vector<32x128xi32>
      %broadcast_in_dim3A_135 = vector.broadcast %reduce_max3A_90 : f32 to vector<32x128xf32>
      %select_n3A_136 = arith.select %eq3A_134, %broadcast_in_dim3A_135, %scan3A_77 : vector<32x128xi1>, vector<32x128xf32>
      %broadcast_in_dim3A_137 = vector.broadcast %reduce_max3A_98 : f32 to vector<32x128xf32>
      %select_n3A_138 = arith.select %eq3A_134, %broadcast_in_dim3A_137, %scan3A_78 : vector<32x128xi1>, vector<32x128xf32>
      %broadcast_in_dim3A_139 = vector.broadcast %reduce_max3A_106 : f32 to vector<32x128xf32>
      %select_n3A_140 = arith.select %eq3A_134, %broadcast_in_dim3A_139, %scan3A_79 : vector<32x128xi1>, vector<32x128xf32>
      %eq3A_141 = vector.broadcast %scan3A_74 : i32 to vector<32x128xi32>
      %eq3A_142 = arith.cmpi eq, %add3A_16, %eq3A_141 : vector<32x128xi32>
      %broadcast_in_dim3A_143 = vector.broadcast %reduce_min3A_130 : i32 to vector<32x128xi32>
      %select_n3A_144 = arith.select %eq3A_142, %broadcast_in_dim3A_143, %scan3A_76 : vector<32x128xi1>, vector<32x128xi32>
      scf.yield %min3A, %select_n3A_144, %select_n3A_136, %select_n3A_138, %select_n3A_140, %reduce_min3A_130 : vector<128x128xf32>, vector<32x128xi32>, vector<32x128xf32>, vector<32x128xf32>, vector<32x128xf32>, i32
    }
    %scan3A_31 = arith.constant 4095 : i32
    %eq3A = vector.broadcast %scan3A_30#5 : i32 to vector<128x128xi32>
    %eq3A_32 = arith.cmpi eq, %add3A, %eq3A : vector<128x128xi32>
    %jit3A = arith.constant 0xFF800000 : f32
    %broadcast_in_dim3A_33 = vector.broadcast %jit3A : f32 to vector<128x128xf32>
    %select_n3A = arith.select %eq3A_32, %get3A_1, %broadcast_in_dim3A_33 : vector<128x128xi1>, vector<128x128xf32>
    %reduce_max3A = vector.shape_cast %select_n3A : vector<128x128xf32> to vector<1x128x128xf32>
    %reduce_max3A_34 = arith.constant dense<0xFF800000> : vector<1xf32>
    %reduce_max3A_35 = vector.multi_reduction <maximumf>, %reduce_max3A, %reduce_max3A_34 [1, 2] : vector<1x128x128xf32> to vector<1xf32>
    %reduce_max3A_36 = vector.shape_cast %reduce_max3A_35 : vector<1xf32> to vector<1x1x1xf32>
    %reduce_max3A_37 = vector.extract %reduce_max3A_36[0, 0, 0] : f32 from vector<1x1x1xf32>
    %jit3A_38 = arith.constant 0xFF800000 : f32
    %broadcast_in_dim3A_39 = vector.broadcast %jit3A_38 : f32 to vector<128x128xf32>
    %select_n3A_40 = arith.select %eq3A_32, %get3A_4, %broadcast_in_dim3A_39 : vector<128x128xi1>, vector<128x128xf32>
    %reduce_max3A_41 = vector.shape_cast %select_n3A_40 : vector<128x128xf32> to vector<1x128x128xf32>
    %reduce_max3A_42 = arith.constant dense<0xFF800000> : vector<1xf32>
    %reduce_max3A_43 = vector.multi_reduction <maximumf>, %reduce_max3A_41, %reduce_max3A_42 [1, 2] : vector<1x128x128xf32> to vector<1xf32>
    %reduce_max3A_44 = vector.shape_cast %reduce_max3A_43 : vector<1xf32> to vector<1x1x1xf32>
    %reduce_max3A_45 = vector.extract %reduce_max3A_44[0, 0, 0] : f32 from vector<1x1x1xf32>
    %jit3A_46 = arith.constant 0xFF800000 : f32
    %broadcast_in_dim3A_47 = vector.broadcast %jit3A_46 : f32 to vector<128x128xf32>
    %select_n3A_48 = arith.select %eq3A_32, %get3A_7, %broadcast_in_dim3A_47 : vector<128x128xi1>, vector<128x128xf32>
    %reduce_max3A_49 = vector.shape_cast %select_n3A_48 : vector<128x128xf32> to vector<1x128x128xf32>
    %reduce_max3A_50 = arith.constant dense<0xFF800000> : vector<1xf32>
    %reduce_max3A_51 = vector.multi_reduction <maximumf>, %reduce_max3A_49, %reduce_max3A_50 [1, 2] : vector<1x128x128xf32> to vector<1xf32>
    %reduce_max3A_52 = vector.shape_cast %reduce_max3A_51 : vector<1xf32> to vector<1x1x1xf32>
    %reduce_max3A_53 = vector.extract %reduce_max3A_52[0, 0, 0] : f32 from vector<1x1x1xf32>
    %eq3A_54 = arith.constant 4095 : i32
    %eq3A_55 = vector.broadcast %eq3A_54 : i32 to vector<32x128xi32>
    %eq3A_56 = arith.cmpi eq, %add3A_16, %eq3A_55 : vector<32x128xi32>
    %broadcast_in_dim3A_57 = vector.broadcast %reduce_max3A_37 : f32 to vector<32x128xf32>
    %select_n3A_58 = arith.select %eq3A_56, %broadcast_in_dim3A_57, %scan3A_30#2 : vector<32x128xi1>, vector<32x128xf32>
    %swap3A = arith.constant 0 : index
    %swap3A_59 = arith.constant 0 : index
    %swap3A_60 = vector.load %arg4[%swap3A, %swap3A_59] : memref<32x128xf32, #tpu.memory_space<vmem>>, vector<32x128xf32>
    tpu.vector_store %arg4[%swap3A, %swap3A_59], %select_n3A_58 {strides = array<i32>} : memref<32x128xf32, #tpu.memory_space<vmem>>, vector<32x128xf32>,
    %broadcast_in_dim3A_61 = vector.broadcast %reduce_max3A_45 : f32 to vector<32x128xf32>
    %select_n3A_62 = arith.select %eq3A_56, %broadcast_in_dim3A_61, %scan3A_30#3 : vector<32x128xi1>, vector<32x128xf32>
    %swap3A_63 = arith.constant 0 : index
    %swap3A_64 = arith.constant 0 : index
    %swap3A_65 = vector.load %arg5[%swap3A_63, %swap3A_64] : memref<32x128xf32, #tpu.memory_space<vmem>>, vector<32x128xf32>
    tpu.vector_store %arg5[%swap3A_63, %swap3A_64], %select_n3A_62 {strides = array<i32>} : memref<32x128xf32, #tpu.memory_space<vmem>>, vector<32x128xf32>,
    %broadcast_in_dim3A_66 = vector.broadcast %reduce_max3A_53 : f32 to vector<32x128xf32>
    %select_n3A_67 = arith.select %eq3A_56, %broadcast_in_dim3A_66, %scan3A_30#4 : vector<32x128xi1>, vector<32x128xf32>
    %swap3A_68 = arith.constant 0 : index
    %swap3A_69 = arith.constant 0 : index
    %swap3A_70 = vector.load %arg6[%swap3A_68, %swap3A_69] : memref<32x128xf32, #tpu.memory_space<vmem>>, vector<32x128xf32>
    tpu.vector_store %arg6[%swap3A_68, %swap3A_69], %select_n3A_67 {strides = array<i32>} : memref<32x128xf32, #tpu.memory_space<vmem>>, vector<32x128xf32>,
    %swap3A_71 = arith.constant 0 : index
    %swap3A_72 = arith.constant 0 : index
    %swap3A_73 = vector.load %arg3[%swap3A_71, %swap3A_72] : memref<32x128xi32, #tpu.memory_space<vmem>>, vector<32x128xi32>
    tpu.vector_store %arg3[%swap3A_71, %swap3A_72], %scan3A_30#1 {strides = array<i32>} : memref<32x128xi32, #tpu.memory_space<vmem>>, vector<32x128xi32>,
    return
  }
}

module attributes {stable_mosaic.version = 14 : i64} {
  func.func @_nbr_body(%arg0: i32, %arg1: memref<64x1xf32, #tpu.memory_space<vmem>>, %arg2: memref<64x1xf32, #tpu.memory_space<vmem>>, %arg3: memref<64x1xf32, #tpu.memory_space<vmem>>, %arg4: memref<1x16384xf32, #tpu.memory_space<vmem>>, %arg5: memref<1x16384xf32, #tpu.memory_space<vmem>>, %arg6: memref<1x16384xf32, #tpu.memory_space<vmem>>, %arg7: memref<64x32xi32, #tpu.memory_space<vmem>>, %arg8: memref<64x32xi32, #tpu.memory_space<vmem>>, %arg9: memref<64x16384xf32, #tpu.memory_space<vmem>>) attributes {dimension_semantics = [#tpu.dimension_semantics<arbitrary>], iteration_bounds = array<i64: 64>, scalar_prefetch = 0 : i64, scratch_operands = 1 : i64, tpu.core_type = #tpu.core_type<tc>, window_params = [{transform_indices = @transform_0, window_bounds = array<i64: 64, 1>}, {transform_indices = @transform_1, window_bounds = array<i64: 64, 1>}, {transform_indices = @transform_2, window_bounds = array<i64: 64, 1>}, {pipeline_mode = #tpu.pipeline_mode<synchronous>, transform_indices = @transform_3, window_bounds = array<i64: 1, 16384>}, {pipeline_mode = #tpu.pipeline_mode<synchronous>, transform_indices = @transform_4, window_bounds = array<i64: 1, 16384>}, {pipeline_mode = #tpu.pipeline_mode<synchronous>, transform_indices = @transform_5, window_bounds = array<i64: 1, 16384>}, {transform_indices = @transform_6, window_bounds = array<i64: 64, 32>}, {transform_indices = @transform_7, window_bounds = array<i64: 64, 32>}]} {
    %get3A = arith.constant 0 : index
    %get3A_0 = arith.constant 0 : index
    %get3A_1 = vector.load %arg1[%get3A, %get3A_0] : memref<64x1xf32, #tpu.memory_space<vmem>>, vector<64x1xf32>
    %get3A_2 = arith.constant 0 : index
    %get3A_3 = arith.constant 0 : index
    %get3A_4 = vector.load %arg2[%get3A_2, %get3A_3] : memref<64x1xf32, #tpu.memory_space<vmem>>, vector<64x1xf32>
    %get3A_5 = arith.constant 0 : index
    %get3A_6 = arith.constant 0 : index
    %get3A_7 = vector.load %arg3[%get3A_5, %get3A_6] : memref<64x1xf32, #tpu.memory_space<vmem>>, vector<64x1xf32>
    %get3A_8 = arith.constant 0 : index
    %get3A_9 = arith.constant 0 : index
    %get3A_10 = vector.load %arg4[%get3A_8, %get3A_9] : memref<1x16384xf32, #tpu.memory_space<vmem>>, vector<1x16384xf32>
    %get3A_11 = arith.constant 0 : index
    %get3A_12 = arith.constant 0 : index
    %get3A_13 = vector.load %arg5[%get3A_11, %get3A_12] : memref<1x16384xf32, #tpu.memory_space<vmem>>, vector<1x16384xf32>
    %get3A_14 = arith.constant 0 : index
    %get3A_15 = arith.constant 0 : index
    %get3A_16 = vector.load %arg6[%get3A_14, %get3A_15] : memref<1x16384xf32, #tpu.memory_space<vmem>>, vector<1x16384xf32>
    %mul3A = arith.mulf %get3A_1, %get3A_1 : vector<64x1xf32>
    %mul3A_17 = arith.mulf %get3A_7, %get3A_7 : vector<64x1xf32>
    %add3A = arith.addf %mul3A, %mul3A_17 : vector<64x1xf32>
    %mul3A_18 = arith.mulf %get3A_4, %get3A_4 : vector<64x1xf32>
    %add3A_19 = arith.addf %add3A, %mul3A_18 : vector<64x1xf32>
    %mul3A_20 = arith.mulf %get3A_10, %get3A_10 : vector<1x16384xf32>
    %mul3A_21 = arith.mulf %get3A_16, %get3A_16 : vector<1x16384xf32>
    %add3A_22 = arith.addf %mul3A_20, %mul3A_21 : vector<1x16384xf32>
    %mul3A_23 = arith.mulf %get3A_13, %get3A_13 : vector<1x16384xf32>
    %add3A_24 = arith.addf %add3A_22, %mul3A_23 : vector<1x16384xf32>
    %convert_element_type3A = arith.truncf %get3A_1 : vector<64x1xf32> to vector<64x1xbf16>
    %convert_element_type3A_25 = arith.extf %convert_element_type3A : vector<64x1xbf16> to vector<64x1xf32>
    %convert_element_type3A_26 = arith.truncf %get3A_4 : vector<64x1xf32> to vector<64x1xbf16>
    %convert_element_type3A_27 = arith.extf %convert_element_type3A_26 : vector<64x1xbf16> to vector<64x1xf32>
    %convert_element_type3A_28 = arith.truncf %get3A_7 : vector<64x1xf32> to vector<64x1xbf16>
    %convert_element_type3A_29 = arith.extf %convert_element_type3A_28 : vector<64x1xbf16> to vector<64x1xf32>
    %convert_element_type3A_30 = arith.truncf %get3A_10 : vector<1x16384xf32> to vector<1x16384xbf16>
    %convert_element_type3A_31 = arith.extf %convert_element_type3A_30 : vector<1x16384xbf16> to vector<1x16384xf32>
    %convert_element_type3A_32 = arith.truncf %get3A_13 : vector<1x16384xf32> to vector<1x16384xbf16>
    %convert_element_type3A_33 = arith.extf %convert_element_type3A_32 : vector<1x16384xbf16> to vector<1x16384xf32>
    %convert_element_type3A_34 = arith.truncf %get3A_16 : vector<1x16384xf32> to vector<1x16384xbf16>
    %convert_element_type3A_35 = arith.extf %convert_element_type3A_34 : vector<1x16384xbf16> to vector<1x16384xf32>
    %mul3A_36 = vector.broadcast %convert_element_type3A_25 : vector<64x1xf32> to vector<64x16384xf32>
    %mul3A_37 = vector.broadcast %convert_element_type3A_31 : vector<1x16384xf32> to vector<64x16384xf32>
    %mul3A_38 = arith.mulf %mul3A_36, %mul3A_37 : vector<64x16384xf32>
    %mul3A_39 = vector.broadcast %convert_element_type3A_27 : vector<64x1xf32> to vector<64x16384xf32>
    %mul3A_40 = vector.broadcast %convert_element_type3A_33 : vector<1x16384xf32> to vector<64x16384xf32>
    %mul3A_41 = arith.mulf %mul3A_39, %mul3A_40 : vector<64x16384xf32>
    %add3A_42 = arith.addf %mul3A_38, %mul3A_41 : vector<64x16384xf32>
    %mul3A_43 = vector.broadcast %convert_element_type3A_29 : vector<64x1xf32> to vector<64x16384xf32>
    %mul3A_44 = vector.broadcast %convert_element_type3A_35 : vector<1x16384xf32> to vector<64x16384xf32>
    %mul3A_45 = arith.mulf %mul3A_43, %mul3A_44 : vector<64x16384xf32>
    %add3A_46 = arith.addf %add3A_42, %mul3A_45 : vector<64x16384xf32>
    %add3A_47 = vector.broadcast %add3A_19 : vector<64x1xf32> to vector<64x16384xf32>
    %add3A_48 = vector.broadcast %add3A_24 : vector<1x16384xf32> to vector<64x16384xf32>
    %add3A_49 = arith.addf %add3A_47, %add3A_48 : vector<64x16384xf32>
    %mul3A_50 = arith.constant 2.000000e+00 : f32
    %mul3A_51 = vector.broadcast %mul3A_50 : f32 to vector<64x16384xf32>
    %mul3A_52 = arith.mulf %mul3A_51, %add3A_46 : vector<64x16384xf32>
    %sub3A = arith.subf %add3A_49, %mul3A_52 : vector<64x16384xf32>
    %lt3A = arith.constant 3.906250e-03 : f32
    %lt3A_53 = vector.broadcast %lt3A : f32 to vector<64x16384xf32>
    %lt3A_54 = arith.cmpf olt, %sub3A, %lt3A_53 : vector<64x16384xf32>
    %jit3A = arith.constant 0x7F800000 : f32
    %broadcast_in_dim3A = vector.broadcast %jit3A : f32 to vector<64x16384xf32>
    %select_n3A = arith.select %lt3A_54, %sub3A, %broadcast_in_dim3A : vector<64x16384xi1>, vector<64x16384xf32>
    %swap3A = arith.constant 0 : index
    %swap3A_55 = arith.constant 0 : index
    %swap3A_56 = vector.load %arg9[%swap3A, %swap3A_55] : memref<64x16384xf32, #tpu.memory_space<vmem>>, vector<64x16384xf32>
    tpu.vector_store %arg9[%swap3A, %swap3A_55], %select_n3A {strides = array<i32>} : memref<64x16384xf32, #tpu.memory_space<vmem>>, vector<64x16384xf32>,
    %iota3A = tpu.iota {dimensions = array<i32: 1>} : vector<64x16384xi32>
    %iota3A_57 = tpu.iota {dimensions = array<i32: 1>} : vector<64x32xi32>
    %broadcast_in_dim3A_58 = arith.constant 0 : i32
    %broadcast_in_dim3A_59 = vector.broadcast %broadcast_in_dim3A_58 : i32 to vector<64x32xi32>
    %broadcast_in_dim3A_60 = arith.constant 0 : i32
    %broadcast_in_dim3A_61 = vector.broadcast %broadcast_in_dim3A_60 : i32 to vector<64x32xi32>
    %scan3A = arith.constant 0 : i32
    %scan3A_62 = arith.constant 32 : i32
    %scan3A_63 = arith.addi %scan3A, %scan3A_62 : i32
    %scan3A_64 = arith.constant 1 : i32
    %scan3A_65:2 = scf.for %scan3A_73 = %scan3A to %scan3A_63 step %scan3A_64 iter_args(%scan3A_74 = %broadcast_in_dim3A_59, %scan3A_75 = %broadcast_in_dim3A_61) -> (vector<64x32xi32>, vector<64x32xi32>)  : i32 {
      %get3A_76 = arith.constant 0 : index
      %get3A_77 = arith.constant 0 : index
      %get3A_78 = vector.load %arg9[%get3A_76, %get3A_77] : memref<64x16384xf32, #tpu.memory_space<vmem>>, vector<64x16384xf32>
      %reduce_min3A = arith.constant dense<0x7F800000> : vector<64xf32>
      %reduce_min3A_79 = vector.multi_reduction <minimumf>, %get3A_78, %reduce_min3A [1] : vector<64x16384xf32> to vector<64xf32>
      %broadcast_in_dim3A_80 = vector.shape_cast %reduce_min3A_79 : vector<64xf32> to vector<64x1xf32>
      %eq3A = vector.broadcast %broadcast_in_dim3A_80 : vector<64x1xf32> to vector<64x16384xf32>
      %eq3A_81 = arith.cmpf oeq, %get3A_78, %eq3A : vector<64x16384xf32>
      %jit3A_82 = arith.constant 1073741824 : i32
      %broadcast_in_dim3A_83 = vector.broadcast %jit3A_82 : i32 to vector<64x16384xi32>
      %select_n3A_84 = arith.select %eq3A_81, %iota3A, %broadcast_in_dim3A_83 : vector<64x16384xi1>, vector<64x16384xi32>
      %reduce_min3A_85 = arith.constant dense<2147483647> : vector<64xi32>
      %reduce_min3A_86 = vector.multi_reduction <minsi>, %select_n3A_84, %reduce_min3A_85 [1] : vector<64x16384xi32> to vector<64xi32>
      %broadcast_in_dim3A_87 = vector.shape_cast %reduce_min3A_86 : vector<64xi32> to vector<64x1xi32>
      %lt3A_88 = arith.constant 3.906250e-03 : f32
      %lt3A_89 = vector.broadcast %lt3A_88 : f32 to vector<64x1xf32>
      %lt3A_90 = arith.cmpf olt, %broadcast_in_dim3A_80, %lt3A_89 : vector<64x1xf32>
      %convert_element_type3A_91 = arith.extui %lt3A_90 : vector<64x1xi1> to vector<64x1xi32>
      %eq3A_92 = vector.broadcast %scan3A_73 : i32 to vector<64x32xi32>
      %eq3A_93 = arith.cmpi eq, %iota3A_57, %eq3A_92 : vector<64x32xi32>
      %broadcast_in_dim3A_94 = vector.shape_cast %broadcast_in_dim3A_87 : vector<64x1xi32> to vector<64x1xi32>
      %broadcast_in_dim3A_95 = vector.broadcast %broadcast_in_dim3A_94 : vector<64x1xi32> to vector<64x32xi32>
      %select_n3A_96 = arith.select %eq3A_93, %broadcast_in_dim3A_95, %scan3A_74 : vector<64x32xi1>, vector<64x32xi32>
      %broadcast_in_dim3A_97 = vector.shape_cast %convert_element_type3A_91 : vector<64x1xi32> to vector<64x1xi32>
      %broadcast_in_dim3A_98 = vector.broadcast %broadcast_in_dim3A_97 : vector<64x1xi32> to vector<64x32xi32>
      %select_n3A_99 = arith.select %eq3A_93, %broadcast_in_dim3A_98, %scan3A_75 : vector<64x32xi1>, vector<64x32xi32>
      %eq3A_100 = vector.broadcast %broadcast_in_dim3A_87 : vector<64x1xi32> to vector<64x16384xi32>
      %eq3A_101 = arith.cmpi eq, %iota3A, %eq3A_100 : vector<64x16384xi32>
      %jit3A_102 = arith.constant 0x7F800000 : f32
      %broadcast_in_dim3A_103 = vector.broadcast %jit3A_102 : f32 to vector<64x16384xf32>
      %select_n3A_104 = arith.select %eq3A_101, %broadcast_in_dim3A_103, %get3A_78 : vector<64x16384xi1>, vector<64x16384xf32>
      %swap3A_105 = arith.constant 0 : index
      %swap3A_106 = arith.constant 0 : index
      %swap3A_107 = vector.load %arg9[%swap3A_105, %swap3A_106] : memref<64x16384xf32, #tpu.memory_space<vmem>>, vector<64x16384xf32>
      tpu.vector_store %arg9[%swap3A_105, %swap3A_106], %select_n3A_104 {strides = array<i32>} : memref<64x16384xf32, #tpu.memory_space<vmem>>, vector<64x16384xf32>,
      scf.yield %select_n3A_96, %select_n3A_99 : vector<64x32xi32>, vector<64x32xi32>
    }
    %scan3A_66 = arith.constant 32 : i32
    %swap3A_67 = arith.constant 0 : index
    %swap3A_68 = arith.constant 0 : index
    %swap3A_69 = vector.load %arg7[%swap3A_67, %swap3A_68] : memref<64x32xi32, #tpu.memory_space<vmem>>, vector<64x32xi32>
    tpu.vector_store %arg7[%swap3A_67, %swap3A_68], %scan3A_65#0 {strides = array<i32>} : memref<64x32xi32, #tpu.memory_space<vmem>>, vector<64x32xi32>,
    %swap3A_70 = arith.constant 0 : index
    %swap3A_71 = arith.constant 0 : index
    %swap3A_72 = vector.load %arg8[%swap3A_70, %swap3A_71] : memref<64x32xi32, #tpu.memory_space<vmem>>, vector<64x32xi32>
    tpu.vector_store %arg8[%swap3A_70, %swap3A_71], %scan3A_65#1 {strides = array<i32>} : memref<64x32xi32, #tpu.memory_space<vmem>>, vector<64x32xi32>,
    return
  }
  func.func @transform_0(%arg0: i32) -> (i32, i32) {
    %c0_i32 = arith.constant 0 : i32
    %c0_i32_0 = arith.constant 0 : i32
    return %arg0, %c0_i32 : i32, i32
  }
  func.func @transform_1(%arg0: i32) -> (i32, i32) {
    %c0_i32 = arith.constant 0 : i32
    %c0_i32_0 = arith.constant 0 : i32
    return %arg0, %c0_i32 : i32, i32
  }
  func.func @transform_2(%arg0: i32) -> (i32, i32) {
    %c0_i32 = arith.constant 0 : i32
    %c0_i32_0 = arith.constant 0 : i32
    return %arg0, %c0_i32 : i32, i32
  }
  func.func @transform_3(%arg0: i32) -> (i32, i32) {
    %c0_i32 = arith.constant 0 : i32
    %c0_i32_0 = arith.constant 0 : i32
    %c0_i32_1 = arith.constant 0 : i32
    return %c0_i32, %c0_i32_0 : i32, i32
  }
  func.func @transform_4(%arg0: i32) -> (i32, i32) {
    %c0_i32 = arith.constant 0 : i32
    %c0_i32_0 = arith.constant 0 : i32
    %c0_i32_1 = arith.constant 0 : i32
    return %c0_i32, %c0_i32_0 : i32, i32
  }
  func.func @transform_5(%arg0: i32) -> (i32, i32) {
    %c0_i32 = arith.constant 0 : i32
    %c0_i32_0 = arith.constant 0 : i32
    %c0_i32_1 = arith.constant 0 : i32
    return %c0_i32, %c0_i32_0 : i32, i32
  }
  func.func @transform_6(%arg0: i32) -> (i32, i32) {
    %c0_i32 = arith.constant 0 : i32
    %c0_i32_0 = arith.constant 0 : i32
    return %arg0, %c0_i32 : i32, i32
  }
  func.func @transform_7(%arg0: i32) -> (i32, i32) {
    %c0_i32 = arith.constant 0 : i32
    %c0_i32_0 = arith.constant 0 : i32
    return %arg0, %c0_i32 : i32, i32
  }
}

module attributes {stable_mosaic.version = 14 : i64} {
  func.func @_prep_body(%arg0: i32, %arg1: memref<2048x128xf32, #tpu.memory_space<vmem>>, %arg2: memref<2048x1xf32, #tpu.memory_space<vmem>>, %arg3: memref<2048x1xf32, #tpu.memory_space<vmem>>, %arg4: memref<2048x1xf32, #tpu.memory_space<vmem>>, %arg5: memref<128x64xf32, #tpu.memory_space<vmem>>, %arg6: memref<1x64xf32, #tpu.memory_space<vmem>>, %arg7: memref<1x64xf32, #tpu.memory_space<vmem>>, %arg8: memref<1x64xf32, #tpu.memory_space<vmem>>, %arg9: memref<1x64xf32, #tpu.memory_space<vmem>>, %arg10: memref<2048x128xf32, #tpu.memory_space<vmem>>) attributes {dimension_semantics = [#tpu.dimension_semantics<arbitrary>], iteration_bounds = array<i64: 8>, scalar_prefetch = 0 : i64, scratch_operands = 0 : i64, tpu.core_type = #tpu.core_type<tc>, window_params = [{transform_indices = @transform_0, window_bounds = array<i64: 2048, 128>}, {transform_indices = @transform_1, window_bounds = array<i64: 2048, 1>}, {transform_indices = @transform_2, window_bounds = array<i64: 2048, 1>}, {transform_indices = @transform_3, window_bounds = array<i64: 2048, 1>}, {pipeline_mode = #tpu.pipeline_mode<synchronous>, transform_indices = @transform_4, window_bounds = array<i64: 128, 64>}, {pipeline_mode = #tpu.pipeline_mode<synchronous>, transform_indices = @transform_5, window_bounds = array<i64: 1, 64>}, {pipeline_mode = #tpu.pipeline_mode<synchronous>, transform_indices = @transform_6, window_bounds = array<i64: 1, 64>}, {pipeline_mode = #tpu.pipeline_mode<synchronous>, transform_indices = @transform_7, window_bounds = array<i64: 1, 64>}, {pipeline_mode = #tpu.pipeline_mode<synchronous>, transform_indices = @transform_8, window_bounds = array<i64: 1, 64>}, {transform_indices = @transform_9, window_bounds = array<i64: 2048, 128>}]} {
    %get3A = arith.constant 0 : index
    %get3A_0 = arith.constant 0 : index
    %get3A_1 = vector.load %arg1[%get3A, %get3A_0] : memref<2048x128xf32, #tpu.memory_space<vmem>>, vector<2048x128xf32>
    %get3A_2 = arith.constant 0 : index
    %get3A_3 = arith.constant 0 : index
    %get3A_4 = vector.load %arg5[%get3A_2, %get3A_3] : memref<128x64xf32, #tpu.memory_space<vmem>>, vector<128x64xf32>
    %dot_general3A = arith.constant dense<0.000000e+00> : vector<2048x64xf32>
    %dot_general3A_5 = tpu.matmul %get3A_1, %get3A_4, %dot_general3A {dimension_numbers = #tpu.dot_dimension_numbers<[1], [0], [0], [1], [0, 0, 1, 1], [], []>, transpose_lhs_hint = false} : vector<2048x128xf32>, vector<128x64xf32>, vector<2048x64xf32> -> vector<2048x64xf32>
    %get3A_6 = arith.constant 0 : index
    %get3A_7 = arith.constant 0 : index
    %get3A_8 = vector.load %arg2[%get3A_6, %get3A_7] : memref<2048x1xf32, #tpu.memory_space<vmem>>, vector<2048x1xf32>
    %get3A_9 = arith.constant 0 : index
    %get3A_10 = arith.constant 0 : index
    %get3A_11 = vector.load %arg6[%get3A_9, %get3A_10] : memref<1x64xf32, #tpu.memory_space<vmem>>, vector<1x64xf32>
    %mul3A = vector.broadcast %get3A_8 : vector<2048x1xf32> to vector<2048x64xf32>
    %mul3A_12 = vector.broadcast %get3A_11 : vector<1x64xf32> to vector<2048x64xf32>
    %mul3A_13 = arith.mulf %mul3A, %mul3A_12 : vector<2048x64xf32>
    %add3A = arith.addf %dot_general3A_5, %mul3A_13 : vector<2048x64xf32>
    %get3A_14 = arith.constant 0 : index
    %get3A_15 = arith.constant 0 : index
    %get3A_16 = vector.load %arg3[%get3A_14, %get3A_15] : memref<2048x1xf32, #tpu.memory_space<vmem>>, vector<2048x1xf32>
    %get3A_17 = arith.constant 0 : index
    %get3A_18 = arith.constant 0 : index
    %get3A_19 = vector.load %arg7[%get3A_17, %get3A_18] : memref<1x64xf32, #tpu.memory_space<vmem>>, vector<1x64xf32>
    %mul3A_20 = vector.broadcast %get3A_16 : vector<2048x1xf32> to vector<2048x64xf32>
    %mul3A_21 = vector.broadcast %get3A_19 : vector<1x64xf32> to vector<2048x64xf32>
    %mul3A_22 = arith.mulf %mul3A_20, %mul3A_21 : vector<2048x64xf32>
    %add3A_23 = arith.addf %add3A, %mul3A_22 : vector<2048x64xf32>
    %get3A_24 = arith.constant 0 : index
    %get3A_25 = arith.constant 0 : index
    %get3A_26 = vector.load %arg4[%get3A_24, %get3A_25] : memref<2048x1xf32, #tpu.memory_space<vmem>>, vector<2048x1xf32>
    %get3A_27 = arith.constant 0 : index
    %get3A_28 = arith.constant 0 : index
    %get3A_29 = vector.load %arg8[%get3A_27, %get3A_28] : memref<1x64xf32, #tpu.memory_space<vmem>>, vector<1x64xf32>
    %mul3A_30 = vector.broadcast %get3A_26 : vector<2048x1xf32> to vector<2048x64xf32>
    %mul3A_31 = vector.broadcast %get3A_29 : vector<1x64xf32> to vector<2048x64xf32>
    %mul3A_32 = arith.mulf %mul3A_30, %mul3A_31 : vector<2048x64xf32>
    %add3A_33 = arith.addf %add3A_23, %mul3A_32 : vector<2048x64xf32>
    %get3A_34 = arith.constant 0 : index
    %get3A_35 = arith.constant 0 : index
    %get3A_36 = vector.load %arg9[%get3A_34, %get3A_35] : memref<1x64xf32, #tpu.memory_space<vmem>>, vector<1x64xf32>
    %add3A_37 = vector.broadcast %get3A_36 : vector<1x64xf32> to vector<2048x64xf32>
    %add3A_38 = arith.addf %add3A_33, %add3A_37 : vector<2048x64xf32>
    %broadcast_in_dim3A = arith.constant 0.000000e+00 : f32
    %broadcast_in_dim3A_39 = vector.broadcast %broadcast_in_dim3A : f32 to vector<2048x64xf32>
    %concatenate3A = tpu.concatenate %add3A_38, %broadcast_in_dim3A_39 in 1 : vector<2048x64xf32>, vector<2048x64xf32> -> vector<2048x128xf32>
    %swap3A = arith.constant 0 : index
    %swap3A_40 = arith.constant 0 : index
    %swap3A_41 = vector.load %arg10[%swap3A, %swap3A_40] : memref<2048x128xf32, #tpu.memory_space<vmem>>, vector<2048x128xf32>
    tpu.vector_store %arg10[%swap3A, %swap3A_40], %concatenate3A {strides = array<i32>} : memref<2048x128xf32, #tpu.memory_space<vmem>>, vector<2048x128xf32>,
    return
  }
  func.func @transform_0(%arg0: i32) -> (i32, i32) {
    %c0_i32 = arith.constant 0 : i32
    %c0_i32_0 = arith.constant 0 : i32
    return %arg0, %c0_i32 : i32, i32
  }
  func.func @transform_1(%arg0: i32) -> (i32, i32) {
    %c0_i32 = arith.constant 0 : i32
    %c0_i32_0 = arith.constant 0 : i32
    return %arg0, %c0_i32 : i32, i32
  }
  func.func @transform_2(%arg0: i32) -> (i32, i32) {
    %c0_i32 = arith.constant 0 : i32
    %c0_i32_0 = arith.constant 0 : i32
    return %arg0, %c0_i32 : i32, i32
  }
  func.func @transform_3(%arg0: i32) -> (i32, i32) {
    %c0_i32 = arith.constant 0 : i32
    %c0_i32_0 = arith.constant 0 : i32
    return %arg0, %c0_i32 : i32, i32
  }
  func.func @transform_4(%arg0: i32) -> (i32, i32) {
    %c0_i32 = arith.constant 0 : i32
    %c0_i32_0 = arith.constant 0 : i32
    %c0_i32_1 = arith.constant 0 : i32
    return %c0_i32, %c0_i32_0 : i32, i32
  }
  func.func @transform_5(%arg0: i32) -> (i32, i32) {
    %c0_i32 = arith.constant 0 : i32
    %c0_i32_0 = arith.constant 0 : i32
    %c0_i32_1 = arith.constant 0 : i32
    return %c0_i32, %c0_i32_0 : i32, i32
  }
  func.func @transform_6(%arg0: i32) -> (i32, i32) {
    %c0_i32 = arith.constant 0 : i32
    %c0_i32_0 = arith.constant 0 : i32
    %c0_i32_1 = arith.constant 0 : i32
    return %c0_i32, %c0_i32_0 : i32, i32
  }
  func.func @transform_7(%arg0: i32) -> (i32, i32) {
    %c0_i32 = arith.constant 0 : i32
    %c0_i32_0 = arith.constant 0 : i32
    %c0_i32_1 = arith.constant 0 : i32
    return %c0_i32, %c0_i32_0 : i32, i32
  }
  func.func @transform_8(%arg0: i32) -> (i32, i32) {
    %c0_i32 = arith.constant 0 : i32
    %c0_i32_0 = arith.constant 0 : i32
    %c0_i32_1 = arith.constant 0 : i32
    return %c0_i32, %c0_i32_0 : i32, i32
  }
  func.func @transform_9(%arg0: i32) -> (i32, i32) {
    %c0_i32 = arith.constant 0 : i32
    %c0_i32_0 = arith.constant 0 : i32
    return %arg0, %c0_i32 : i32, i32
  }
}

module attributes {stable_mosaic.version = 14 : i64} {
  func.func @_conv_body(%arg0: i32, %arg1: memref<4096x128xf32, #tpu.memory_space<vmem>>, %arg2: memref<4096x1xf32, #tpu.memory_space<vmem>>, %arg3: memref<4096x1xf32, #tpu.memory_space<vmem>>, %arg4: memref<4096x1xf32, #tpu.memory_space<vmem>>, %arg5: memref<1x64xf32, #tpu.memory_space<vmem>>, %arg6: memref<1x64xf32, #tpu.memory_space<vmem>>, %arg7: memref<1x64xf32, #tpu.memory_space<vmem>>, %arg8: memref<64x128xf32, #tpu.memory_space<vmem>>, %arg9: memref<1x128xf32, #tpu.memory_space<vmem>>, %arg10: memref<4096x1xi32, #tpu.memory_space<vmem>>, %arg11: memref<128x32xi32, #tpu.memory_space<vmem>>, %arg12: memref<128x128xf32, #tpu.memory_space<vmem>>) attributes {dimension_semantics = [#tpu.dimension_semantics<arbitrary>], iteration_bounds = array<i64: 32>, scalar_prefetch = 0 : i64, scratch_operands = 0 : i64, tpu.core_type = #tpu.core_type<tc>, window_params = [{transform_indices = @transform_0, window_bounds = array<i64: 4096, 128>}, {transform_indices = @transform_1, window_bounds = array<i64: 4096, 1>}, {transform_indices = @transform_2, window_bounds = array<i64: 4096, 1>}, {transform_indices = @transform_3, window_bounds = array<i64: 4096, 1>}, {pipeline_mode = #tpu.pipeline_mode<synchronous>, transform_indices = @transform_4, window_bounds = array<i64: 1, 64>}, {pipeline_mode = #tpu.pipeline_mode<synchronous>, transform_indices = @transform_5, window_bounds = array<i64: 1, 64>}, {pipeline_mode = #tpu.pipeline_mode<synchronous>, transform_indices = @transform_6, window_bounds = array<i64: 1, 64>}, {pipeline_mode = #tpu.pipeline_mode<synchronous>, transform_indices = @transform_7, window_bounds = array<i64: 64, 128>}, {pipeline_mode = #tpu.pipeline_mode<synchronous>, transform_indices = @transform_8, window_bounds = array<i64: 1, 128>}, {transform_indices = @transform_9, window_bounds = array<i64: 4096, 1>}, {transform_indices = @transform_10, window_bounds = array<i64: 128, 32>}, {transform_indices = @transform_11, window_bounds = array<i64: 128, 128>}]} {
    %get3A = arith.constant 0 : index
    %get3A_0 = arith.constant 0 : index
    %get3A_1 = vector.load %arg2[%get3A, %get3A_0] : memref<4096x1xf32, #tpu.memory_space<vmem>>, vector<4096x1xf32>
    %get3A_2 = arith.constant 0 : index
    %get3A_3 = arith.constant 0 : index
    %get3A_4 = vector.load %arg5[%get3A_2, %get3A_3] : memref<1x64xf32, #tpu.memory_space<vmem>>, vector<1x64xf32>
    %mul3A = vector.broadcast %get3A_1 : vector<4096x1xf32> to vector<4096x64xf32>
    %mul3A_5 = vector.broadcast %get3A_4 : vector<1x64xf32> to vector<4096x64xf32>
    %mul3A_6 = arith.mulf %mul3A, %mul3A_5 : vector<4096x64xf32>
    %get3A_7 = arith.constant 0 : index
    %get3A_8 = arith.constant 0 : index
    %get3A_9 = vector.load %arg3[%get3A_7, %get3A_8] : memref<4096x1xf32, #tpu.memory_space<vmem>>, vector<4096x1xf32>
    %get3A_10 = arith.constant 0 : index
    %get3A_11 = arith.constant 0 : index
    %get3A_12 = vector.load %arg6[%get3A_10, %get3A_11] : memref<1x64xf32, #tpu.memory_space<vmem>>, vector<1x64xf32>
    %mul3A_13 = vector.broadcast %get3A_9 : vector<4096x1xf32> to vector<4096x64xf32>
    %mul3A_14 = vector.broadcast %get3A_12 : vector<1x64xf32> to vector<4096x64xf32>
    %mul3A_15 = arith.mulf %mul3A_13, %mul3A_14 : vector<4096x64xf32>
    %add3A = arith.addf %mul3A_6, %mul3A_15 : vector<4096x64xf32>
    %get3A_16 = arith.constant 0 : index
    %get3A_17 = arith.constant 0 : index
    %get3A_18 = vector.load %arg4[%get3A_16, %get3A_17] : memref<4096x1xf32, #tpu.memory_space<vmem>>, vector<4096x1xf32>
    %get3A_19 = arith.constant 0 : index
    %get3A_20 = arith.constant 0 : index
    %get3A_21 = vector.load %arg7[%get3A_19, %get3A_20] : memref<1x64xf32, #tpu.memory_space<vmem>>, vector<1x64xf32>
    %mul3A_22 = vector.broadcast %get3A_18 : vector<4096x1xf32> to vector<4096x64xf32>
    %mul3A_23 = vector.broadcast %get3A_21 : vector<1x64xf32> to vector<4096x64xf32>
    %mul3A_24 = arith.mulf %mul3A_22, %mul3A_23 : vector<4096x64xf32>
    %add3A_25 = arith.addf %add3A, %mul3A_24 : vector<4096x64xf32>
    %get3A_26 = arith.constant 0 : index
    %get3A_27 = arith.constant 0 : index
    %get3A_28 = vector.load %arg1[%get3A_26, %get3A_27] : memref<4096x128xf32, #tpu.memory_space<vmem>>, vector<4096x64xf32>
    %sub3A = arith.subf %get3A_28, %add3A_25 : vector<4096x64xf32>
    %max3A = arith.constant 0.000000e+00 : f32
    %max3A_29 = vector.broadcast %max3A : f32 to vector<4096x64xf32>
    %max3A_30 = arith.maximumf %sub3A, %max3A_29 : vector<4096x64xf32>
    %get3A_31 = arith.constant 0 : index
    %get3A_32 = arith.constant 0 : index
    %get3A_33 = vector.load %arg8[%get3A_31, %get3A_32] : memref<64x128xf32, #tpu.memory_space<vmem>>, vector<64x128xf32>
    %dot_general3A = arith.constant dense<0.000000e+00> : vector<4096x128xf32>
    %dot_general3A_34 = tpu.matmul %max3A_30, %get3A_33, %dot_general3A {dimension_numbers = #tpu.dot_dimension_numbers<[1], [0], [0], [1], [0, 0, 1, 1], [], []>, transpose_lhs_hint = false} : vector<4096x64xf32>, vector<64x128xf32>, vector<4096x128xf32> -> vector<4096x128xf32>
    %get3A_35 = arith.constant 0 : index
    %get3A_36 = arith.constant 0 : index
    %get3A_37 = vector.load %arg9[%get3A_35, %get3A_36] : memref<1x128xf32, #tpu.memory_space<vmem>>, vector<1x128xf32>
    %add3A_38 = vector.broadcast %get3A_37 : vector<1x128xf32> to vector<4096x128xf32>
    %add3A_39 = arith.addf %dot_general3A_34, %add3A_38 : vector<4096x128xf32>
    %get3A_40 = arith.constant 0 : index
    %get3A_41 = arith.constant 0 : index
    %get3A_42 = vector.load %arg10[%get3A_40, %get3A_41] : memref<4096x1xi32, #tpu.memory_space<vmem>>, vector<4096x1xi32>
    %ne3A = arith.constant 0 : i32
    %ne3A_43 = vector.broadcast %ne3A : i32 to vector<4096x1xi32>
    %ne3A_44 = arith.cmpi ne, %get3A_42, %ne3A_43 : vector<4096x1xi32>
    %jit3A = arith.constant 0.000000e+00 : f32
    %jit3A_45 = arith.constant 0xFF800000 : f32
    %broadcast_in_dim3A = vector.broadcast %jit3A : f32 to vector<4096x1xf32>
    %broadcast_in_dim3A_46 = vector.broadcast %jit3A_45 : f32 to vector<4096x1xf32>
    %select_n3A = arith.select %ne3A_44, %broadcast_in_dim3A, %broadcast_in_dim3A_46 : vector<4096x1xi1>, vector<4096x1xf32>
    %add3A_47 = vector.broadcast %select_n3A : vector<4096x1xf32> to vector<4096x128xf32>
    %add3A_48 = arith.addf %add3A_39, %add3A_47 : vector<4096x128xf32>
    %reshape3A = vector.shape_cast %add3A_48 : vector<4096x128xf32> to vector<128x32x128xf32>
    %reduce_max3A = arith.constant dense<0xFF800000> : vector<128x128xf32>
    %reduce_max3A_49 = vector.multi_reduction <maximumf>, %reshape3A, %reduce_max3A [1] : vector<128x32x128xf32> to vector<128x128xf32>
    %get3A_50 = arith.constant 0 : index
    %get3A_51 = arith.constant 0 : index
    %get3A_52 = vector.load %arg11[%get3A_50, %get3A_51] : memref<128x32xi32, #tpu.memory_space<vmem>>, vector<128x32xi32>
    %reduce_max3A_53 = arith.constant dense<-2147483648> : vector<128xi32>
    %reduce_max3A_54 = vector.multi_reduction <maxsi>, %get3A_52, %reduce_max3A_53 [1] : vector<128x32xi32> to vector<128xi32>
    %broadcast_in_dim3A_55 = vector.shape_cast %reduce_max3A_54 : vector<128xi32> to vector<128x1xi32>
    %ne3A_56 = arith.constant 0 : i32
    %ne3A_57 = vector.broadcast %ne3A_56 : i32 to vector<128x1xi32>
    %ne3A_58 = arith.cmpi ne, %broadcast_in_dim3A_55, %ne3A_57 : vector<128x1xi32>
    %jit3A_59 = arith.constant 0.000000e+00 : f32
    %broadcast_in_dim3A_60 = vector.shape_cast %ne3A_58 : vector<128x1xi1> to vector<128x1xi1>
    %broadcast_in_dim3A_61 = vector.broadcast %broadcast_in_dim3A_60 : vector<128x1xi1> to vector<128x128xi1>
    %broadcast_in_dim3A_62 = vector.broadcast %jit3A_59 : f32 to vector<128x128xf32>
    %select_n3A_63 = arith.select %broadcast_in_dim3A_61, %reduce_max3A_49, %broadcast_in_dim3A_62 : vector<128x128xi1>, vector<128x128xf32>
    %swap3A = arith.constant 0 : index
    %swap3A_64 = arith.constant 0 : index
    %swap3A_65 = vector.load %arg12[%swap3A, %swap3A_64] : memref<128x128xf32, #tpu.memory_space<vmem>>, vector<128x128xf32>
    tpu.vector_store %arg12[%swap3A, %swap3A_64], %select_n3A_63 {strides = array<i32>} : memref<128x128xf32, #tpu.memory_space<vmem>>, vector<128x128xf32>,
    return
  }
  func.func @transform_0(%arg0: i32) -> (i32, i32) {
    %c0_i32 = arith.constant 0 : i32
    %c0_i32_0 = arith.constant 0 : i32
    return %arg0, %c0_i32 : i32, i32
  }
  func.func @transform_1(%arg0: i32) -> (i32, i32) {
    %c0_i32 = arith.constant 0 : i32
    %c0_i32_0 = arith.constant 0 : i32
    return %arg0, %c0_i32 : i32, i32
  }
  func.func @transform_2(%arg0: i32) -> (i32, i32) {
    %c0_i32 = arith.constant 0 : i32
    %c0_i32_0 = arith.constant 0 : i32
    return %arg0, %c0_i32 : i32, i32
  }
  func.func @transform_3(%arg0: i32) -> (i32, i32) {
    %c0_i32 = arith.constant 0 : i32
    %c0_i32_0 = arith.constant 0 : i32
    return %arg0, %c0_i32 : i32, i32
  }
  func.func @transform_4(%arg0: i32) -> (i32, i32) {
    %c0_i32 = arith.constant 0 : i32
    %c0_i32_0 = arith.constant 0 : i32
    %c0_i32_1 = arith.constant 0 : i32
    return %c0_i32, %c0_i32_0 : i32, i32
  }
  func.func @transform_5(%arg0: i32) -> (i32, i32) {
    %c0_i32 = arith.constant 0 : i32
    %c0_i32_0 = arith.constant 0 : i32
    %c0_i32_1 = arith.constant 0 : i32
    return %c0_i32, %c0_i32_0 : i32, i32
  }
  func.func @transform_6(%arg0: i32) -> (i32, i32) {
    %c0_i32 = arith.constant 0 : i32
    %c0_i32_0 = arith.constant 0 : i32
    %c0_i32_1 = arith.constant 0 : i32
    return %c0_i32, %c0_i32_0 : i32, i32
  }
  func.func @transform_7(%arg0: i32) -> (i32, i32) {
    %c0_i32 = arith.constant 0 : i32
    %c0_i32_0 = arith.constant 0 : i32
    %c0_i32_1 = arith.constant 0 : i32
    return %c0_i32, %c0_i32_0 : i32, i32
  }
  func.func @transform_8(%arg0: i32) -> (i32, i32) {
    %c0_i32 = arith.constant 0 : i32
    %c0_i32_0 = arith.constant 0 : i32
    %c0_i32_1 = arith.constant 0 : i32
    return %c0_i32, %c0_i32_0 : i32, i32
  }
  func.func @transform_9(%arg0: i32) -> (i32, i32) {
    %c0_i32 = arith.constant 0 : i32
    %c0_i32_0 = arith.constant 0 : i32
    return %arg0, %c0_i32 : i32, i32
  }
  func.func @transform_10(%arg0: i32) -> (i32, i32) {
    %c0_i32 = arith.constant 0 : i32
    %c0_i32_0 = arith.constant 0 : i32
    return %arg0, %c0_i32 : i32, i32
  }
  func.func @transform_11(%arg0: i32) -> (i32, i32) {
    %c0_i32 = arith.constant 0 : i32
    %c0_i32_0 = arith.constant 0 : i32
    return %arg0, %c0_i32 : i32, i32
  }
}

</mosaic_0001>

<sc_bundles>
// kernel: gather_offload_async_start
scs
__scs_entry_jumppad:
0x0: {  	(pc) =	sbr.rel $0x88, $3  }
0x1: {  	(tag) =	ssettag $0x0;
	lr =	simm.s32 $0x1  }
0x2: {  	[smem:$0x3F9A] =	sst lr;
	_ =	strace $0xD0000000  }
0x3: {  	_ = 	snop  }
0x4: {  	_ = 	snop  }
0x5: {  	_ = 	snop  }
0x6: {  	_ = 	snop  }
0x7: {  	_ = 	snop  }
__scs_overlays_trampoline_lowered:
0x8: {  	[smem:$0x3FA9] =	sst s0  }
0x9: {  	[smem:$0x3FAA] =	sst s1  }
0xa: {  	[smem:$0x3FAB] =	sst s2  }
0xb: {  	[smem:$0x3FAC] =	sst s3  }
0xc: {  	[smem:$0x3FAD] =	sst s4  }
0xd: {  	[smem:$0x3FAE] =	sst s5  }
0xe: {  	[smem:$0x3FAF] =	sst s6  }
0xf: {  	[smem:$0x3FB0] =	sst s7  }
0x10: {  	[smem:$0x3FB1] =	sst s8  }
0x11: {  	[smem:$0x3FB2] =	sst s9;
	s0 =	simm.s32 @!p0 $0x0  }
0x12: {  	s1 =	sld [smem:$0x3F98];
	s0 =	simm.s32 @p0 $0x1  }
0x13: {  	[smem:$0x3FB3] =	sst s0;
	s0 =	simm.s32 @!p1 $0x0  }
0x14: {  	s2 =	sld [smem:$0x3F97];
	s0 =	simm.s32 @p1 $0x1  }
0x15: {  	[smem:$0x3FB4] =	sst s0;
	s0 =	simm.s32 @!p2 $0x0  }
0x16: {  	s3 =	sld [smem:$0x3FDB];
	s0 =	simm.s32 @p2 $0x1  }
0x17: {  	s4 =	simm.s32 $0x1BF5;
	[smem:$0x3FB6] =	sst s0  }
0x18: {  	s0 =	sld [smem:$0x3F99];
	_ =	swait.ge [sflag:s4], $0x0  }
0x19: {  	s7 =	sld [smem:$0x3F9A]  }
0x1a: {  	s8 =	sadd.s32 $0xFFFFE003, lr  }
0x1b: {  	s9 =	sadd.s32 $0xFFFFFEF7, lr;
	s5 =	simm.s32 $0xFFFFFFFF;
	p2 =	slt.u32 s8, $0xFFFFF086  }
0x1c: {  	p1 =	slt.u32 s9, $0xF7A;
	s5 =	simm.s32 @!p2 $0x0  }
0x1d: {  	s5 =	simm.s32 @p1 $0x1;
	p0 =	seq.s32 s7, s2  }
0x1e: {  	s7 =	smul.u32 @!p0 $0xF7A, s2;
	p2 =	seq.s32 @!p0 s5, $0x0  }
0x1f: {  	s9 =	smul.u32 $0xF7A, s1;
	s8 =	simm.s32 @!p0 $0x1BF5;
	p2 =	por !p2, p0  }
0x20: {  	[sflag:s8] =	ssyncset.s32 @!p0 $0xFFFFF086;
	s6 =	sadd.s32 @!p0 s3, s7;
	s7 =	simm.s32 @!p0 $0x108  }
0x21: {  	s3 =	sadd.s32 s3, s9;
	s6 =	sadd.s32 @!p0 $0x88, s6;
	s7 =	simm.s32 @p2 $0x1082  }
0x22: {  	[simem:s7], [sflag:s8] =	dma.local @!p0 [hbm:s6], $0xF7A  }
0x23: {  	s9 =	sor.u32 $0xD0000000, s2;
	s6 =	simm.s32 $0x108;
	_ =	swait.ge @!p0 [sflag:s8], $0x0  }
0x24: {  	s3 =	sadd.s32 $0x88, s3;
	s6 =	simm.s32 @!p1 $0x1082;
	[sflag:s4] =	ssyncset.s32 $0xFFFFF086  }
0x25: {  	[simem:s6], [sflag:s4] =	dma.local [hbm:s3], $0xF7A  }
0x26: {  	[smem:$0x3F9A] =	sst s1;
	(tag) =	ssettag s2;
	_ =	strace s9  }
0x27: {  	s1 =	sld [smem:$0x3FAA]  }
0x28: {  	s2 =	sld [smem:$0x3FAB]  }
0x29: {  	s4 =	sld [smem:$0x3FAD]  }
0x2a: {  	p0 =	seq.s32 s5, $0x0;
	s5 =	sld [smem:$0x3FAE]  }
0x2b: {  	s6 =	sld [smem:$0x3FAF]  }
0x2c: {  	s7 =	sld [smem:$0x3FB0]  }
0x2d: {  	s3 =	simm.s32 $0x108;
	s8 =	sld [smem:$0x3FB1]  }
0x2e: {  	s3 =	simm.s32 @!p0 $0x1082;
	s9 =	sld [smem:$0x3FB2]  }
0x2f: {  	lr =	sadd.s32 s0, s3;
	s0 =	sld [smem:$0x3FA9]  }
0x30: {  	s3 =	sld [smem:$0x3FAC]  }
0x31: {  	[smem:$0x3FB5] =	sst s10  }
0x32: {  	s10 =	sld [smem:$0x3FB3];
	_ =	sdelay $0x3  }
0x33: {  	p0 =	seq.s32 s10, $0x1;
	s10 =	sld [smem:$0x3FB5];
	_ =	sdelay $0x3  }
0x34: {  	[smem:$0x3FB5] =	sst s10  }
0x35: {  	s10 =	sld [smem:$0x3FB4];
	_ =	sdelay $0x3  }
0x36: {  	p1 =	seq.s32 s10, $0x1;
	s10 =	sld [smem:$0x3FB5];
	_ =	sdelay $0x3  }
0x37: {  	[smem:$0x3FB5] =	sst s10  }
0x38: {  	s10 =	sld [smem:$0x3FB6]  }
0x39: {  	_ = 	snop;
	(pc) =	sbr.ind lr, $3  }
0x3a: {  	_ = 	snop  }
0x3b: {  	_ = 	snop  }
0x3c: {  	p2 =	seq.s32 s10, $0x1;
	s10 =	sld [smem:$0x3FB5]  }
0x3d: {  	_ =	shalt  }
0x3e: {  	_ =	shalt  }
0x3f: {  	_ =	shalt  }
0x40: {  	_ =	shalt  }
0x41: {  	_ =	shalt  }
0x42: {  	_ =	shalt  }
0x43: {  	_ =	shalt  }
0x44: {  	_ =	shalt  }
0x45: {  	_ =	shalt  }
0x46: {  	_ =	shalt  }
0x47: {  	_ =	shalt  }
0x48: {  	_ =	shalt  }
0x49: {  	_ =	shalt  }
0x4a: {  	_ =	shalt  }
0x4b: {  	_ =	shalt  }
0x4c: {  	_ =	shalt  }
0x4d: {  	_ =	shalt  }
0x4e: {  	_ =	shalt  }
0x4f: {  	_ =	shalt  }
0x50: {  	_ =	shalt  }
0x51: {  	_ =	shalt  }
0x52: {  	_ =	shalt  }
0x53: {  	_ =	shalt  }
0x54: {  	_ =	shalt  }
0x55: {  	_ =	shalt  }
0x56: {  	_ =	shalt  }
0x57: {  	_ =	shalt  }
0x58: {  	_ =	shalt  }
0x59: {  	_ =	shalt  }
0x5a: {  	_ =	shalt  }
0x5b: {  	_ =	shalt  }
0x5c: {  	_ =	shalt  }
0x5d: {  	_ =	shalt  }
0x5e: {  	_ =	shalt  }
0x5f: {  	_ =	shalt  }
0x60: {  	_ =	shalt  }
0x61: {  	_ =	shalt  }
0x62: {  	_ =	shalt  }
0x63: {  	_ =	shalt  }
0x64: {  	_ =	shalt  }
0x65: {  	_ =	shalt  }
0x66: {  	_ =	shalt  }
0x67: {  	_ =	shalt  }
0x68: {  	_ =	shalt  }
0x69: {  	_ =	shalt  }
0x6a: {  	_ =	shalt  }
0x6b: {  	_ =	shalt  }
0x6c: {  	_ =	shalt  }
0x6d: {  	_ =	shalt  }
0x6e: {  	_ =	shalt  }
0x6f: {  	_ =	shalt  }
0x70: {  	_ =	shalt  }
0x71: {  	_ =	shalt  }
0x72: {  	_ =	shalt  }
0x73: {  	_ =	shalt  }
0x74: {  	_ =	shalt  }
0x75: {  	_ =	shalt  }
0x76: {  	_ =	shalt  }
0x77: {  	_ =	shalt  }
0x78: {  	_ =	shalt  }
0x79: {  	_ =	shalt  }
0x7a: {  	_ =	shalt  }
0x7b: {  	_ =	shalt  }
0x7c: {  	_ =	shalt  }
0x7d: {  	_ =	shalt  }
0x7e: {  	_ =	shalt  }
0x7f: {  	_ =	shalt  }
0x80: {  	_ =	shalt  }
0x81: {  	_ =	shalt  }
0x82: {  	_ =	shalt  }
0x83: {  	_ =	shalt  }
0x84: {  	_ =	shalt  }
0x85: {  	_ =	shalt  }
0x86: {  	_ =	shalt  }
0x87: {  	_ =	shalt  }
.Lfunc_end0:
.L_simem_size_0:
called_computation_lowered:
.L_overlay_start_0:
0x88: {  	s2 =	sld [smem:$0x3FD9]  }
0x89: {  	s3 =	sld [smem:$0x3FFE];
	_ =	sdelay $0x1  }
0x8a: {  	s1 =	srdreg.scid  }
0x8b: {  	s0 =	sand.u32 $0x1, s1  }
0x8c: {  	s15 =	sshll.u32 s0, $0xA;
	s2 =	sadd.s32 s3, s2  }
0x8d: {  	s2 =	sadd.s32 s2, s15  }
0x8e: {  	[smem:$0x3FC1] =	sst s2  }
0x8f: {  	_ = 	snop  }
0x90: {  	s16 =	sld [smem:$0x3FD0];
	_ =	sdelay $0x2  }
0x91: {  	s4 =	simm.s32 $0xB;
	s5 =	simm.s32 $0x10;
	s2 =	sld [smem:$0x3FC7]  }
0x92: {  	[smem:s5], [sflag:s4] =	dma.local [hbm:s16], $0x1  }
0x93: {  	_ =	swait.eq [sflag:s4], $0x1  }
0x94: {  	[sflag:s4] =	ssyncset.done $0x0  }
0x95: {  	[sflag:s4] =	ssyncadd.s32 $0xFFFFFFFF  }
0x96: {  	s17 =	sld [smem:$0x12];
	(tm) =	ssettm $0x1  }
0x97: {  	s18 =	sld [smem:$0x3FFB];
	_ =	sdelay $0x3  }
0x98: {  	_ =	strace s18  }
0x99: {  	s3 =	sld [smem:$0x3FFC];
	_ =	sdelay $0x3  }
0x9a: {  	_ =	strace s3  }
0x9b: {  	s3 =	sld [smem:$0x3FFD];
	_ =	sdelay $0x3  }
0x9c: {  	_ =	strace s3  }
0x9d: {  	_ =	strace $0x8FFFFFFF  }
0x9e: {  	s19 =	sld [smem:$0x3FDB];
	_ =	sdelay $0x1  }
0x9f: {  	s20 =	simm.s32 $_scs_section_size  }
0xa0: {  	s6 =	simm.s32 $_size__tile_overlayer_lowered;
	s7 =	simm.s32 $_tile_overlayer_lowered  }
0xa1: {  	s8 =	simm.s32 $0x1BFF;
	s21 =	sshll.u32 s7, $0x1;
	s5 =	sadd.s32 s20, s19  }
0xa2: {  	s22 =	simm.s32 $0x0;
	s6 =	sshll.u32 s6, $0x1;
	s7 =	sadd.s32 s21, s5  }
0xa3: {  	[timem:s22], [sflag:s8] =	dma.local [hbm:s7], s6  }
0xa4: {  	_ =	swait.ge [sflag:s8], s6  }
0xa5: {  	s6 =	ssub.s32 $0x0, s6;
	[sflag:s8] =	ssyncset.done $0x0  }
0xa6: {  	[sflag:s8] =	ssyncadd.s32 s6;
	_ =	sdelay $0x1  }
0xa7: {  	s23 =	simm.s32 $0x1B8B  }
0xa8: {  	_ =	swait.ge [sflag:s23], $0x1  }
0xa9: {  	[sflag:s23] =	ssyncset.done $0x0  }
0xaa: {  	[sflag:s23] =	ssyncadd.s32 $0xFFFFFFFF  }
0xab: {  	s6 =	sld [smem:$0x0]  }
0xac: {  	s7 =	sand.u32 $0xFFFFFFFE, s1  }
0xad: {  	p0 =	sne.s32 s1, s7  }
0xae: {  	s7 =	sshll.u32 @p0 s7, $0xE  }
0xaf: {  	s7 =	sadd.s32 @p0 $0x11B8D, s7;
	s8 =	sshll.u32 @p0 s6, $0x11  }
0xb0: {  	s7 =	sor.u32 @p0 s8, s7  }
0xb1: {  	[sflag:s7] =	ssyncadd.remote.s32 @p0 $0x1;
	_ =	sdelay $0x1  }
0xb2: {  	s7 =	simm.s32 @p0 $0x1B8D  }
0xb3: {  	_ =	swait.eq @p0 [sflag:s7], $0x1  }
0xb4: {  	[sflag:s7] =	ssyncadd.s32 @p0 $0xFFFFFFFF  }
0xb5: {  	s8 =	sshll.u32 @!p0 s1, $0xE  }
0xb6: {  	s8 =	sor.u32 @!p0 $0x4000, s8;
	s7 =	simm.s32 @!p0 $0x1B8D  }
0xb7: {  	s6 =	sshll.u32 @!p0 s6, $0x11;
	s8 =	sadd.s32 @!p0 $0x11B8D, s8;
	_ =	swait.eq @!p0 [sflag:s7], $0x1  }
0xb8: {  	s6 =	sor.u32 @!p0 s6, s8;
	[sflag:s7] =	ssyncadd.s32 @!p0 $0xFFFFFFFF  }
0xb9: {  	s25 =	simm.s32 $0x1B8E;
	s24 =	sld [smem:$0x3FFE];
	[sflag:s6] =	ssyncadd.remote.s32 @!p0 $0x1  }
0xba: {  	s26 =	simm.s32 $execute0_lowered;
	[smem:$0x3FD2] =	sst s25  }
0xbb: {  	s7 =	sshll.u32 s26, $0x1;
	_ =	strace $0x80000049;
	[dreg:$0x1] =	wrdreg $0xFFFFFFFF  }
0xbc: {  	s28 =	simm.s32 $_size_execute0_lowered;
	s5 =	sadd.s32 s5, s7;
	[dreg:$0x0] =	wrdreg $0x0  }
0xbd: {  	s7 =	sshll.u32 s28, $0x1;
	[dreg:$0x2] =	wrdreg s5  }
0xbe: {  	[dreg:$0x3] =	wrdreg s7  }
0xbf: {  	[dreg:$0x4] =	wrdreg $0xC0  }
0xc0: {  	_ =	task [dreg:s22], $0x5FFFF  }
0xc1: {  	[dreg:$0x1] =	wrdreg $0xFFFFFFFF  }
0xc2: {  	[dreg:$0x0] =	wrdreg $0x60  }
0xc3: {  	[dreg:$0x2] =	wrdreg s2  }
0xc4: {  	[dreg:$0x3] =	wrdreg s24  }
0xc5: {  	[dreg:$0x4] =	wrdreg s17  }
0xc6: {  	[dreg:$0x5] =	wrdreg $0x9  }
0xc7: {  	_ =	task.clear_ibuf [dreg:s22], $0x6FFFF;
	_ =	strace $0x90000049  }
0xc8: {  	s29 =	simm.s32 $0x9;
	_ =	strace $0x8000004B  }
0xc9: {  	_ =	swait.ge [sflag:s29], $0x1  }
0xca: {  	[sflag:s29] =	ssyncadd.s32 $0xFFFFFFFF  }
0xcb: {  	_ =	strace $0x9000004B  }
0xcc: {  	_ =	sfence  }
0xcd: {  	s30 =	sld [smem:$0x0];
	_ =	sdelay $0x2  }
0xce: {  	s31 =	sshll.u32 s1, $0xD;
	s1 =	sshrl.u32 s1, $0x2  }
0xcf: {  	s4 =	sand.u32 $0x4000, s31;
	s1 =	sadd.s32 s1, s30  }
0xd0: {  	s0 =	sor.u32 s4, s0;
	s1 =	sshll.u32 s1, $0x11  }
0xd1: {  	s0 =	sor.u32 s1, s0  }
0xd2: {  	s0 =	sadd.s32 $0x8F2B, s0  }
0xd3: {  	[sflag:s0] =	ssyncadd.remote.s32 $0x1  }
0xd4: {  	_ =	sfence.sel $0xFFFF  }
0xd5: {  	[dreg:$0x0] =	wrdreg $0xFFFFFFFF;
	(pc) =	sbr.abs _section_cstart, $3  }
0xd6: {  	[dreg:$0x1] =	wrdreg $0xFFFFFFFF  }
0xd7: {  	_ =	task.clear_ibuf [dreg:s22], $0x2FFFF;
	_ =	strace $0x9FFFFFFF  }
0xd8: {  	(tm) =	ssettm $0x7FFFFFFF  }
0xd9: {  	_ =	shalt  }
tec
execute0_lowered:
.L_overlay_start_1:
0x0: {  	(tag) =	ssettag $0x1  }
0x1: {  	s2 =	rddreg [dreg:$0x0]  }
0x2: {  	s1 =	srdreg.scid;
	s5 =	rddreg [dreg:$0x1]  }
0x3: {  	s0 =	stileid.u32;
	s3 =	rddreg [dreg:$0x2]  }
0x4: {  	s9 =	simm.s32 $0x1;
	s10 =	simm.s32 $0x3;
	s1 =	sshll.u32 s1, $0x6  }
0x5: {  	s13 =	simm.s32 $0x0;
	s4 =	sshll.u32 s0, $0x7;
	s6 =	sand.u32 $0x40, s1  }
0x6: {  	s12 =	simm.s32 $0x0;
	s5 =	sadd.s32 $0x43800, s5;
	s4 =	sor.u32 s4, s6  }
0x7: {  	s1 =	rddreg [dreg:$0x3];
	_ =	strace $0x8000004A;
	s8 =	ssub.s32 $0x1000, s4  }
.Ltmp0:
0x8: {  	s6 =	simm.s32 $0x1;
	s7 =	sand.u32 $0x7C0, s8;
	(pc) =	sbr.rel .LBB2_1-.Ltmp0, $4  }
0x9: {  	[sflag:s6] =	ssyncpa.u1 $0x0;
	s11 =	smov.u32 s4;
	p0 =	sne.s32 s7, $0x0  }
0xa: {  	s8 =	sshrl.u32 s8, $0xB;
	s7 =	simm.s32 $0x2;
	s9 =	simm.s32 @!p0 $0x0  }
0xb: {  	[sflag:s7] =	ssyncpa.u1 $0x0;
	p0 =	por $0x0, $0x0;
	s8 =	sadd.s32 s9, s8  }
0xc: {  	vm0 =	vmmov $0xffff;
	[sflag:s10] =	ssyncpa.u1 $0x0;
	s10 =	simm.s32 $0x0;
	s9 =	sadd.s32 $0x1, s8  }
.LBB2_4:
0xd: {  	v2 =	vnsel vm1, $0x0, v2  }
0xe: {  	vm1 =	vgt.s32 v0, $0x0;
	v2 =	vmin.u32 v2, $0x3FFF  }
0xf: {  	v0 =	vnsel vm1, $0x0, v0  }
0x10: {  	v0 =	vmin.u32 v0, $0x3FFF  }
0x11: {  	[tilespmem:s15], [sflag:$0x1] =	stream.indirect_vreg.gather [hbm4b:s2+s10], $0x1, v1, vm0, $0x4038;
	[tilespmem:$0x100] =	vst v63  }
0x12: {  	(ifvalue) =	ssetifvalue $0x7FFFFFFF  }
0x13: {  	[tilespmem:s16], [sflag:$0x1] =	stream.indirect_vreg.gather [hbm4b:s2+s10], $0x1, v2, vm0, $0x4038;
	[tilespmem:$0x100] =	vst v63  }
0x14: {  	s29 =	sadd.s32 $0x10, s16;
	(ifvalue) =	ssetifvalue $0x7FFFFFFF  }
0x15: {  	[tilespmem:s29], [sflag:$0x1] =	stream.indirect_vreg.gather [hbm4b:s2+s10], $0x1, v0, vm0, $0x4038;
	[tilespmem:$0x100] =	vst v63  }
0x16: {  	_ =	swait.ge [sflag:s6], $0x40  }
0x17: {  	s30 =	sshrl.u32 s13, $0x3;
	[sflag:s6] =	ssyncset.done $0x0  }
0x18: {  	s31 =	sand.u32 $0x7, s13;
	s15 =	sadd.s32 s3, s30;
	[sflag:s6] =	ssyncadd.s32 $0xFFFFFFC0  }
0x19: {  	[hbm4b:s15+s31] =	stream.linear.scatter [tilespmem:s14], [sflag:$0x3], $0x40, $0x38;
	[tilespmem:$0x100] =	vst v63  }
.LBB2_5:
0x1a: {  	s15 =	sadd.s32 $0x800, s11  }
0x1b: {  	p2 =	sgt.s32 s15, $0xFFF  }
0x1c: {  	s15 =	smov.u32 @p2 s4;
	p2 =	sne.s32 s12, s9  }
.Ltmp1:
0x1d: {  	p1 =	slt.u32 s12, $0x2;
	(pc) =	sbr.rel @!p2 .LBB2_6-.Ltmp1, $4  }
0x1e: {  	s14 =	simm.s32 @!p1 $0x3  }
0x1f: {  	s16 =	sadd.s32 $0x1, s12;
	_ =	swait.ge @!p1 [sflag:s14], $0x40  }
0x20: {  	s13 =	smov.u32 s11;
	p0 =	por !p0, !p0;
	[sflag:s14] =	ssyncset.done @!p1 $0x0  }
0x21: {  	s12 =	smov.u32 s16;
	s11 =	smov.u32 s15;
	[sflag:s14] =	ssyncadd.s32 @!p1 $0xFFFFFFC0  }
.LBB2_1:
0x22: {  	p1 =	sge.u32 s12, s8  }
0x23: {  	s14 =	sxor.u32 @!p1 $0xFFFFFFFF, s12  }
0x24: {  	s31 =	sadd.s32 $0xFFFFFFFF, s12;
	s15 =	sshrl.u32 @!p1 s11, $0x3;
	s14 =	sshll.u32 @!p1 s14, $0x6  }
0x25: {  	s16 =	sand.u32 @!p1 $0x7, s11;
	s15 =	sadd.s32 @!p1 s5, s15;
	s14 =	sand.u32 @!p1 $0x40, s14  }
0x26: {  	[tilespmem:s14], [sflag:$0x2] =	stream.linear.gather @!p1 [hbm4b:s15+s16], $0x40, $0x38;
	[tilespmem:$0x100] =	vst v63  }
0x27: {  	p1 =	sge.u32 s31, s8  }
.Ltmp2:
0x28: {  	_ = 	snop;
	(pc) =	sbr.rel @p1 .LBB2_5-.Ltmp2, $1  }
0x29: {  	_ =	sdelay $0x3  }
0x2a: {  	s14 =	simm.s32 $0x1  }
0x2b: {  	_ =	swait.ge [sflag:s7], $0x40;
	s14 =	simm.s32 @!p0 $0x0  }
0x2c: {  	[sflag:s7] =	ssyncset.done $0x0;
	s14 =	sshll.u32 s14, $0x6  }
0x2d: {  	[sflag:s7] =	ssyncadd.s32 $0xFFFFFFC0;
	(ifvalue) =	ssetifvalue $0x7FFFFFFF;
	v0 =	vld.msk [tilespmem:s14+$0x0 ss:$0x1], $0xffff;
	_ =	sdelay $0x4  }
0x2e: {  	s15 =	sadd.s32 $0x10, s14;
	vm1 =	vgt.s32 v0, $0x0  }
0x2f: {  	v2 =	vld.msk [tilespmem:s15+$0x0 ss:$0x1], $0xffff;
	v1 =	vnsel vm1, $0x0, v0  }
0x30: {  	v1 =	vmin.u32 v1, $0x3FFF;
	_ =	sdelay $0x1  }
0x31: {  	s16 =	sshll.u32 s12, $0x6;
	s18 =	simm.s32 $0x20  }
0x32: {  	s16 =	sand.u32 $0x40, s16;
	s17 =	sadd.s32 $0x10, s15;
	s15 =	sor.u32 $0x80, s14  }
0x33: {  	s14 =	sor.u32 $0x80, s16;
	s16 =	sadd.s32 $0x10, s15;
	v0 =	vld.msk [tilespmem:s17+$0x0 ss:$0x1], $0xffff;
	vm1 =	vgt.s32 v2, $0x0;
	(ifvalue) =	ssetifvalue $0x7FFFFFFF  }
.LBB2_3:
0x34: {  	[tilespmem:s15], [sflag:$0x1] =	stream.indirect_vreg.gather [hbm4b:s2+s10], $0x1, v1, vm0, $0x4038;
	[tilespmem:$0x100] =	vst v63  }
0x35: {  	s18 =	sadd.s32 $0x10, s18  }
0x36: {  	v2 =	vnsel vm1, $0x0, v2;
	p1 =	slt.u32 s18, $0x30  }
.Ltmp3:
0x37: {  	s15 =	smov.u32 s16;
	v1 =	vmin.u32 v2, $0x3FFF;
	(pc) =	sbr.rel @p1 .LBB2_3-.Ltmp3, $3  }
0x38: {  	_ =	sdelay $0x1  }
0x39: {  	s17 =	sadd.s32 $0x10, s17  }
0x3a: {  	vm1 =	vgt.s32 v0, $0x0;
	s16 =	sadd.s32 $0x10, s16;
	v2 =	vmov v0;
	(ifvalue) =	ssetifvalue $0x7FFFFFFF;
	v0 =	vld.msk [tilespmem:s17+$0x0 ss:$0x1], $0xffff  }
.Ltmp4:
0x3b: {  	_ = 	snop;
	(pc) =	sbr.rel .LBB2_4-.Ltmp4, $1  }
0x3c: {  	_ =	sdelay $0x3  }
.LBB2_6:
0x3d: {  	_ =	sfence.sel $0x180000  }
0x3e: {  	s2 =	simm.s32 $0x2;
	[bflag:$0x0] =	sbarrier.arrive $0xFFFF  }
0x3f: {  	s30 =	simm.s32 $0x3;
	[sflag:s2] =	ssyncpa.u1 $0x1  }
0x40: {  	s31 =	simm.s32 $0x1;
	[sflag:s30] =	ssyncpa.u1 $0x1  }
0x41: {  	[sflag:s31] =	ssyncpa.u1 $0x1  }
0x42: {  	p0 =	sne.s32 s0, $0x0;
	_ =	strace $0x9000004A  }
0x43: {  	s0 =	sadd.s32 @!p0 $0x100000, s1;
	[bflag:$0x2] =	sbarrier.arrive $0xFFFF  }
0x44: {  	[sflag:s0] =	ssyncadd.tile.s32 @!p0 $0x1;
	_ =	shalt  }
.Lfunc_end2:
_tile_overlayer_lowered:
.L_overlay_start_2:
0x45: {  	(tag) =	ssettag $0x2  }
0x46: {  	s0 =	rddreg [dreg:$0x0];
	s2 =	stileid.u32  }
0x47: {  	s1 =	rddreg [dreg:$0x1];
	p0 =	sne.s32 s2, $0x0  }
0x48: {  	s3 =	rddreg [dreg:$0x2];
	[bflag:$0x3] =	sbarrier.arrive $0xFFFF;
	s2 =	simm.s32 @!p0 $0x1C01  }
0x49: {  	[timem:s3], [sflag:s2] =	dma.local @!p0 [hbm:s0], s1  }
0x4a: {  	s0 =	simm.s32 @!p0 $0x1  }
0x4b: {  	_ =	swait.ge @!p0 [sflag:s0], s1  }
0x4c: {  	s1 =	ssub.s32 @!p0 $0x0, s1;
	[sflag:s0] =	ssyncset.done @!p0 $0x0  }
0x4d: {  	[sflag:s0] =	ssyncadd.s32 @!p0 s1  }
0x4e: {  	[bflag:$0x3] =	sbarrier.arrive $0xFFFF  }
0x4f: {  	_ =	shalt  }

// kernel: kernel.7.cloned.1.call-start
scs
__scs_entry_jumppad:
0x0: {  	(pc) =	sbr.rel $0x88, $3  }
0x1: {  	(tag) =	ssettag $0x0;
	lr =	simm.s32 $0x1  }
0x2: {  	[smem:$0x3F9A] =	sst lr;
	_ =	strace $0xD0000000  }
0x3: {  	_ = 	snop  }
0x4: {  	_ = 	snop  }
0x5: {  	_ = 	snop  }
0x6: {  	_ = 	snop  }
0x7: {  	_ = 	snop  }
__scs_overlays_trampoline_lowered:
0x8: {  	[smem:$0x3FA9] =	sst s0  }
0x9: {  	[smem:$0x3FAA] =	sst s1  }
0xa: {  	[smem:$0x3FAB] =	sst s2  }
0xb: {  	[smem:$0x3FAC] =	sst s3  }
0xc: {  	[smem:$0x3FAD] =	sst s4  }
0xd: {  	[smem:$0x3FAE] =	sst s5  }
0xe: {  	[smem:$0x3FAF] =	sst s6  }
0xf: {  	[smem:$0x3FB0] =	sst s7  }
0x10: {  	[smem:$0x3FB1] =	sst s8  }
0x11: {  	[smem:$0x3FB2] =	sst s9;
	s0 =	simm.s32 @!p0 $0x0  }
0x12: {  	s1 =	sld [smem:$0x3F98];
	s0 =	simm.s32 @p0 $0x1  }
0x13: {  	[smem:$0x3FB3] =	sst s0;
	s0 =	simm.s32 @!p1 $0x0  }
0x14: {  	s2 =	sld [smem:$0x3F97];
	s0 =	simm.s32 @p1 $0x1  }
0x15: {  	[smem:$0x3FB4] =	sst s0;
	s0 =	simm.s32 @!p2 $0x0  }
0x16: {  	s3 =	sld [smem:$0x3FDB];
	s0 =	simm.s32 @p2 $0x1  }
0x17: {  	s4 =	simm.s32 $0x1BF5;
	[smem:$0x3FB6] =	sst s0  }
0x18: {  	s0 =	sld [smem:$0x3F99];
	_ =	swait.ge [sflag:s4], $0x0  }
0x19: {  	s7 =	sld [smem:$0x3F9A]  }
0x1a: {  	s8 =	sadd.s32 $0xFFFFE003, lr  }
0x1b: {  	s9 =	sadd.s32 $0xFFFFFEF7, lr;
	s5 =	simm.s32 $0xFFFFFFFF;
	p2 =	slt.u32 s8, $0xFFFFF086  }
0x1c: {  	p1 =	slt.u32 s9, $0xF7A;
	s5 =	simm.s32 @!p2 $0x0  }
0x1d: {  	s5 =	simm.s32 @p1 $0x1;
	p0 =	seq.s32 s7, s2  }
0x1e: {  	s7 =	smul.u32 @!p0 $0xF7A, s2;
	p2 =	seq.s32 @!p0 s5, $0x0  }
0x1f: {  	s9 =	smul.u32 $0xF7A, s1;
	s8 =	simm.s32 @!p0 $0x1BF5;
	p2 =	por !p2, p0  }
0x20: {  	[sflag:s8] =	ssyncset.s32 @!p0 $0xFFFFF086;
	s6 =	sadd.s32 @!p0 s3, s7;
	s7 =	simm.s32 @!p0 $0x108  }
0x21: {  	s3 =	sadd.s32 s3, s9;
	s6 =	sadd.s32 @!p0 $0x88, s6;
	s7 =	simm.s32 @p2 $0x1082  }
0x22: {  	[simem:s7], [sflag:s8] =	dma.local @!p0 [hbm:s6], $0xF7A  }
0x23: {  	s9 =	sor.u32 $0xD0000000, s2;
	s6 =	simm.s32 $0x108;
	_ =	swait.ge @!p0 [sflag:s8], $0x0  }
0x24: {  	s3 =	sadd.s32 $0x88, s3;
	s6 =	simm.s32 @!p1 $0x1082;
	[sflag:s4] =	ssyncset.s32 $0xFFFFF086  }
0x25: {  	[simem:s6], [sflag:s4] =	dma.local [hbm:s3], $0xF7A  }
0x26: {  	[smem:$0x3F9A] =	sst s1;
	(tag) =	ssettag s2;
	_ =	strace s9  }
0x27: {  	s1 =	sld [smem:$0x3FAA]  }
0x28: {  	s2 =	sld [smem:$0x3FAB]  }
0x29: {  	s4 =	sld [smem:$0x3FAD]  }
0x2a: {  	p0 =	seq.s32 s5, $0x0;
	s5 =	sld [smem:$0x3FAE]  }
0x2b: {  	s6 =	sld [smem:$0x3FAF]  }
0x2c: {  	s7 =	sld [smem:$0x3FB0]  }
0x2d: {  	s3 =	simm.s32 $0x108;
	s8 =	sld [smem:$0x3FB1]  }
0x2e: {  	s3 =	simm.s32 @!p0 $0x1082;
	s9 =	sld [smem:$0x3FB2]  }
0x2f: {  	lr =	sadd.s32 s0, s3;
	s0 =	sld [smem:$0x3FA9]  }
0x30: {  	s3 =	sld [smem:$0x3FAC]  }
0x31: {  	[smem:$0x3FB5] =	sst s10  }
0x32: {  	s10 =	sld [smem:$0x3FB3];
	_ =	sdelay $0x3  }
0x33: {  	p0 =	seq.s32 s10, $0x1;
	s10 =	sld [smem:$0x3FB5];
	_ =	sdelay $0x3  }
0x34: {  	[smem:$0x3FB5] =	sst s10  }
0x35: {  	s10 =	sld [smem:$0x3FB4];
	_ =	sdelay $0x3  }
0x36: {  	p1 =	seq.s32 s10, $0x1;
	s10 =	sld [smem:$0x3FB5];
	_ =	sdelay $0x3  }
0x37: {  	[smem:$0x3FB5] =	sst s10  }
0x38: {  	s10 =	sld [smem:$0x3FB6]  }
0x39: {  	_ = 	snop;
	(pc) =	sbr.ind lr, $3  }
0x3a: {  	_ = 	snop  }
0x3b: {  	_ = 	snop  }
0x3c: {  	p2 =	seq.s32 s10, $0x1;
	s10 =	sld [smem:$0x3FB5]  }
0x3d: {  	_ =	shalt  }
0x3e: {  	_ =	shalt  }
0x3f: {  	_ =	shalt  }
0x40: {  	_ =	shalt  }
0x41: {  	_ =	shalt  }
0x42: {  	_ =	shalt  }
0x43: {  	_ =	shalt  }
0x44: {  	_ =	shalt  }
0x45: {  	_ =	shalt  }
0x46: {  	_ =	shalt  }
0x47: {  	_ =	shalt  }
0x48: {  	_ =	shalt  }
0x49: {  	_ =	shalt  }
0x4a: {  	_ =	shalt  }
0x4b: {  	_ =	shalt  }
0x4c: {  	_ =	shalt  }
0x4d: {  	_ =	shalt  }
0x4e: {  	_ =	shalt  }
0x4f: {  	_ =	shalt  }
0x50: {  	_ =	shalt  }
0x51: {  	_ =	shalt  }
0x52: {  	_ =	shalt  }
0x53: {  	_ =	shalt  }
0x54: {  	_ =	shalt  }
0x55: {  	_ =	shalt  }
0x56: {  	_ =	shalt  }
0x57: {  	_ =	shalt  }
0x58: {  	_ =	shalt  }
0x59: {  	_ =	shalt  }
0x5a: {  	_ =	shalt  }
0x5b: {  	_ =	shalt  }
0x5c: {  	_ =	shalt  }
0x5d: {  	_ =	shalt  }
0x5e: {  	_ =	shalt  }
0x5f: {  	_ =	shalt  }
0x60: {  	_ =	shalt  }
0x61: {  	_ =	shalt  }
0x62: {  	_ =	shalt  }
0x63: {  	_ =	shalt  }
0x64: {  	_ =	shalt  }
0x65: {  	_ =	shalt  }
0x66: {  	_ =	shalt  }
0x67: {  	_ =	shalt  }
0x68: {  	_ =	shalt  }
0x69: {  	_ =	shalt  }
0x6a: {  	_ =	shalt  }
0x6b: {  	_ =	shalt  }
0x6c: {  	_ =	shalt  }
0x6d: {  	_ =	shalt  }
0x6e: {  	_ =	shalt  }
0x6f: {  	_ =	shalt  }
0x70: {  	_ =	shalt  }
0x71: {  	_ =	shalt  }
0x72: {  	_ =	shalt  }
0x73: {  	_ =	shalt  }
0x74: {  	_ =	shalt  }
0x75: {  	_ =	shalt  }
0x76: {  	_ =	shalt  }
0x77: {  	_ =	shalt  }
0x78: {  	_ =	shalt  }
0x79: {  	_ =	shalt  }
0x7a: {  	_ =	shalt  }
0x7b: {  	_ =	shalt  }
0x7c: {  	_ =	shalt  }
0x7d: {  	_ =	shalt  }
0x7e: {  	_ =	shalt  }
0x7f: {  	_ =	shalt  }
0x80: {  	_ =	shalt  }
0x81: {  	_ =	shalt  }
0x82: {  	_ =	shalt  }
0x83: {  	_ =	shalt  }
0x84: {  	_ =	shalt  }
0x85: {  	_ =	shalt  }
0x86: {  	_ =	shalt  }
0x87: {  	_ =	shalt  }
.Lfunc_end0:
.L_simem_size_0:
called_computation.1_lowered:
.L_overlay_start_0:
0x88: {  	s2 =	sld [smem:$0x3FD9]  }
0x89: {  	s3 =	sld [smem:$0x3FFE];
	_ =	sdelay $0x1  }
0x8a: {  	s1 =	srdreg.scid  }
0x8b: {  	s0 =	sand.u32 $0x1, s1  }
0x8c: {  	s14 =	sshll.u32 s0, $0xA;
	s2 =	sadd.s32 s3, s2  }
0x8d: {  	s2 =	sadd.s32 s2, s14  }
0x8e: {  	[smem:$0x3FC1] =	sst s2  }
0x8f: {  	_ = 	snop  }
0x90: {  	s2 =	sld [smem:$0x3FD0];
	_ =	sdelay $0x2  }
0x91: {  	s15 =	simm.s32 $0xB;
	s4 =	simm.s32 $0x10  }
0x92: {  	[smem:s4], [sflag:s15] =	dma.local [hbm:s2], $0x1  }
0x93: {  	_ =	swait.eq [sflag:s15], $0x1  }
0x94: {  	[sflag:s15] =	ssyncset.done $0x0  }
0x95: {  	[sflag:s15] =	ssyncadd.s32 $0xFFFFFFFF  }
0x96: {  	s16 =	sld [smem:$0x10];
	(tm) =	ssettm $0x1  }
0x97: {  	s17 =	sld [smem:$0x3FFB];
	_ =	sdelay $0x3  }
0x98: {  	_ =	strace s17  }
0x99: {  	s3 =	sld [smem:$0x3FFC];
	_ =	sdelay $0x3  }
0x9a: {  	_ =	strace s3  }
0x9b: {  	s3 =	sld [smem:$0x3FFD];
	_ =	sdelay $0x3  }
0x9c: {  	_ =	strace s3  }
0x9d: {  	_ =	strace $0x8FFFFFFF  }
0x9e: {  	s18 =	sld [smem:$0x3FDB];
	_ =	sdelay $0x1  }
0x9f: {  	s19 =	simm.s32 $_scs_section_size  }
0xa0: {  	s5 =	simm.s32 $_size__tile_overlayer_lowered;
	s6 =	simm.s32 $_tile_overlayer_lowered  }
0xa1: {  	s22 =	simm.s32 $0x1BFF;
	s21 =	sshll.u32 s6, $0x1;
	s3 =	sadd.s32 s19, s18  }
0xa2: {  	s7 =	simm.s32 $0x0;
	s20 =	sshll.u32 s5, $0x1;
	s5 =	sadd.s32 s21, s3  }
0xa3: {  	[timem:s7], [sflag:s22] =	dma.local [hbm:s5], s20  }
0xa4: {  	_ =	swait.ge [sflag:s22], s20  }
0xa5: {  	s4 =	ssub.s32 $0x0, s20;
	[sflag:s22] =	ssyncset.done $0x0  }
0xa6: {  	[sflag:s22] =	ssyncadd.s32 s4;
	_ =	sdelay $0x1  }
0xa7: {  	s23 =	simm.s32 $0x1B8B  }
0xa8: {  	_ =	swait.ge [sflag:s23], $0x1  }
0xa9: {  	[sflag:s23] =	ssyncset.done $0x0  }
0xaa: {  	s25 =	simm.s32 $0x1B8E;
	s24 =	sld [smem:$0x3FFE];
	[sflag:s23] =	ssyncadd.s32 $0xFFFFFFFF  }
0xab: {  	s26 =	simm.s32 $execute0_lowered;
	[smem:$0x3FD2] =	sst s25  }
0xac: {  	s5 =	sshll.u32 s26, $0x1;
	_ =	strace $0x80000046;
	[dreg:$0x1] =	wrdreg $0xFFFFFFFF  }
0xad: {  	s28 =	simm.s32 $_size_execute0_lowered;
	s3 =	sadd.s32 s3, s5;
	[dreg:$0x0] =	wrdreg $0x0  }
0xae: {  	s5 =	sshll.u32 s28, $0x1;
	[dreg:$0x2] =	wrdreg s3  }
0xaf: {  	[dreg:$0x3] =	wrdreg s5  }
0xb0: {  	[dreg:$0x4] =	wrdreg $0xC0  }
0xb1: {  	_ =	task [dreg:s7], $0x5FFFF  }
0xb2: {  	[dreg:$0x1] =	wrdreg $0xFFFFFFFF  }
0xb3: {  	[dreg:$0x0] =	wrdreg $0x60  }
0xb4: {  	[dreg:$0x2] =	wrdreg s24  }
0xb5: {  	[dreg:$0x3] =	wrdreg s16  }
0xb6: {  	[dreg:$0x4] =	wrdreg $0xA  }
0xb7: {  	_ =	task.clear_ibuf [dreg:s7], $0x5FFFF;
	_ =	strace $0x90000046  }
0xb8: {  	s29 =	simm.s32 $0xA;
	_ =	strace $0x80000048  }
0xb9: {  	_ =	swait.ge [sflag:s29], $0x1  }
0xba: {  	[sflag:s29] =	ssyncadd.s32 $0xFFFFFFFF  }
0xbb: {  	_ =	strace $0x90000048  }
0xbc: {  	_ =	sfence  }
0xbd: {  	s30 =	sld [smem:$0x0];
	_ =	sdelay $0x2  }
0xbe: {  	s31 =	sshll.u32 s1, $0xD;
	s1 =	sshrl.u32 s1, $0x2  }
0xbf: {  	s3 =	sand.u32 $0x4000, s31;
	s1 =	sadd.s32 s1, s30  }
0xc0: {  	s0 =	sor.u32 s3, s0;
	s1 =	sshll.u32 s1, $0x11  }
0xc1: {  	s0 =	sor.u32 s1, s0  }
0xc2: {  	s0 =	sadd.s32 $0x8F2B, s0  }
0xc3: {  	[sflag:s0] =	ssyncadd.remote.s32 $0x1  }
0xc4: {  	_ =	sfence.sel $0xFFFF  }
0xc5: {  	[dreg:$0x0] =	wrdreg $0xFFFFFFFF;
	(pc) =	sbr.abs _section_cstart, $3  }
0xc6: {  	[dreg:$0x1] =	wrdreg $0xFFFFFFFF  }
0xc7: {  	_ =	task.clear_ibuf [dreg:s7], $0x2FFFF;
	_ =	strace $0x9FFFFFFF  }
0xc8: {  	(tm) =	ssettm $0x7FFFFFFF  }
0xc9: {  	_ =	shalt  }
tec
execute0_lowered:
.L_overlay_start_1:
0x0: {  	(tag) =	ssettag $0x1  }
0x1: {  	s4 =	rddreg [dreg:$0x0]  }
0x2: {  	s6 =	rddreg [dreg:$0x1]  }
0x3: {  	s0 =	rddreg [dreg:$0x2];
	s2 =	simm.s32 $0x0;
	s1 =	stileid.u32  }
0x4: {  	s3 =	srdreg.scid;
	[smem:$0x7FF] =	sst s2  }
0x5: {  	s5 =	sshll.u32 s1, $0x11;
	s7 =	sand.u32 $0x1, s3;
	s3 =	sadd.s32 $0x3800, s4  }
0x6: {  	s9 =	sshll.u32 s1, $0xD;
	_ =	strace $0x80000047;
	s5 =	sadd.s32 s5, s4  }
0x7: {  	s29 =	ssub.s32 $0x2, s7;
	s10 =	sshll.u32 s7, $0xC;
	s7 =	sshll.u32 s7, $0x10  }
0x8: {  	s8 =	sshrl.u32 s29, $0x1;
	s30 =	sor.u32 s10, s9;
	s5 =	sadd.s32 s7, s5  }
0x9: {  	s7 =	simm.s32 $0x2;
	s9 =	simm.s32 $0x1;
	s10 =	simm.s32 $0x0  }
0xa: {  	s4 =	ssub.s32 s29, s8;
	s31 =	sshrl.u32 s30, $0x3;
	s5 =	sadd.s32 $0xC3E00, s5  }
0xb: {  	s8 =	simm.s32 $0x80;
	s4 =	smax.u32 s4, $0x1;
	s6 =	sadd.s32 s31, s6  }
.LBB2_1:
0xc: {  	s11 =	sadd.s32 $0x0, s6  }
0xd: {  	[tilespmem:s2], [sflag:$0x2] =	stream.linear.gather [hbm4b:s11+s2], $0x80, $0x38;
	[tilespmem:$0x4080] =	vst v63  }
0xe: {  	_ =	swait.ge [sflag:s7], $0x80  }
0xf: {  	[sflag:s7] =	ssyncset.done $0x0  }
0x10: {  	[sflag:s7] =	ssyncadd.s32 $0xFFFFFF80  }
0x11: {  	[tilespmem:s8], [sflag:$0x1] =	stream.indirect.gather [hbm4b:s3+s8], $0x80, s2, s8, $0xb8;
	[tilespmem:$0x4080] =	vst v63  }
0x12: {  	_ =	swait.ge [sflag:s9], $0x4000  }
0x13: {  	[sflag:s9] =	ssyncset.done $0x0  }
0x14: {  	[sflag:s9] =	ssyncadd.s32 $0xFFFFC000  }
0x15: {  	[hbm4b:s5+s2] =	stream.linear.scatter [tilespmem:s8], [sflag:$0x2], $0x4000, $0x38;
	[tilespmem:$0x4080] =	vst v63  }
0x16: {  	s12 =	simm.s32 $0x10;
	_ =	swait.ge [sflag:s7], $0x4000  }
0x17: {  	s13 =	simm.s32 $0x20;
	s11 =	sadd.s32 $0x800, s5;
	[sflag:s7] =	ssyncset.done $0x0  }
.LBB2_2:
0x18: {  	s14 =	sadd.s32 s12, s6  }
0x19: {  	[sflag:s7] =	ssyncadd.s32 $0xFFFFC000;
	s12 =	smov.u32 s13;
	s15 =	sadd.s32 $0x10, s13  }
0x1a: {  	[tilespmem:s2], [sflag:$0x2] =	stream.linear.gather [hbm4b:s14+s2], $0x80, $0x38;
	[tilespmem:$0x4080] =	vst v63  }
0x1b: {  	p0 =	sne.s32 s13, $0x1F0;
	_ =	swait.ge [sflag:s7], $0x80  }
0x1c: {  	[sflag:s7] =	ssyncset.done $0x0  }
0x1d: {  	[sflag:s7] =	ssyncadd.s32 $0xFFFFFF80  }
0x1e: {  	[tilespmem:s8], [sflag:$0x1] =	stream.indirect.gather [hbm4b:s3+s8], $0x80, s2, s8, $0xb8;
	[tilespmem:$0x4080] =	vst v63  }
0x1f: {  	_ =	swait.ge [sflag:s9], $0x4000  }
.Ltmp0:
0x20: {  	[sflag:s9] =	ssyncset.done $0x0;
	(pc) =	sbr.rel @p0 .LBB2_2-.Ltmp0, $4  }
0x21: {  	[sflag:s9] =	ssyncadd.s32 $0xFFFFC000  }
0x22: {  	[hbm4b:s11+s2] =	stream.linear.scatter [tilespmem:s8], [sflag:$0x2], $0x4000, $0x38;
	[tilespmem:$0x4080] =	vst v63  }
0x23: {  	_ =	swait.ge [sflag:s7], $0x4000  }
0x24: {  	s13 =	smov.u32 s15;
	s11 =	sadd.s32 $0x800, s11;
	[sflag:s7] =	ssyncset.done $0x0  }
0x25: {  	s12 =	sadd.s32 s12, s6;
	[sflag:s7] =	ssyncadd.s32 $0xFFFFC000  }
0x26: {  	[tilespmem:s2], [sflag:$0x2] =	stream.linear.gather [hbm4b:s12+s2], $0x80, $0x38;
	[tilespmem:$0x4080] =	vst v63  }
0x27: {  	_ =	swait.ge [sflag:s7], $0x80  }
0x28: {  	[sflag:s7] =	ssyncset.done $0x0  }
0x29: {  	[sflag:s7] =	ssyncadd.s32 $0xFFFFFF80  }
0x2a: {  	[tilespmem:s8], [sflag:$0x1] =	stream.indirect.gather [hbm4b:s3+s8], $0x80, s2, s8, $0xb8;
	[tilespmem:$0x4080] =	vst v63  }
0x2b: {  	s10 =	sadd.s32 $0x1, s10;
	_ =	swait.ge [sflag:s9], $0x4000  }
0x2c: {  	p0 =	sne.s32 s10, s4;
	[sflag:s9] =	ssyncset.done $0x0  }
.Ltmp1:
0x2d: {  	[sflag:s9] =	ssyncadd.s32 $0xFFFFC000;
	(pc) =	sbr.rel @p0 .LBB2_1-.Ltmp1, $4  }
0x2e: {  	[hbm4b:s11+s2] =	stream.linear.scatter [tilespmem:s8], [sflag:$0x2], $0x4000, $0x38;
	[tilespmem:$0x4080] =	vst v63  }
0x2f: {  	_ =	swait.ge [sflag:s7], $0x4000  }
0x30: {  	[sflag:s7] =	ssyncset.done $0x0  }
0x31: {  	[sflag:s7] =	ssyncadd.s32 $0xFFFFC000  }
0x32: {  	_ =	sfence.sel $0x180000  }
0x33: {  	[bflag:$0x0] =	sbarrier.arrive $0xFFFF  }
0x34: {  	p0 =	sne.s32 s1, $0x0;
	_ =	strace $0x90000047  }
0x35: {  	s0 =	sadd.s32 @!p0 $0x100000, s0;
	[bflag:$0x2] =	sbarrier.arrive $0xFFFF  }
0x36: {  	[sflag:s0] =	ssyncadd.tile.s32 @!p0 $0x1;
	_ =	shalt  }
.Lfunc_end2:
_tile_overlayer_lowered:
.L_overlay_start_2:
0x37: {  	(tag) =	ssettag $0x2  }
0x38: {  	s0 =	rddreg [dreg:$0x0];
	s2 =	stileid.u32  }
0x39: {  	s1 =	rddreg [dreg:$0x1];
	p0 =	sne.s32 s2, $0x0  }
0x3a: {  	s3 =	rddreg [dreg:$0x2];
	[bflag:$0x3] =	sbarrier.arrive $0xFFFF;
	s2 =	simm.s32 @!p0 $0x1C02  }
0x3b: {  	[timem:s3], [sflag:s2] =	dma.local @!p0 [hbm:s0], s1  }
0x3c: {  	s0 =	simm.s32 @!p0 $0x2  }
0x3d: {  	_ =	swait.ge @!p0 [sflag:s0], s1  }
0x3e: {  	s1 =	ssub.s32 @!p0 $0x0, s1;
	[sflag:s0] =	ssyncset.done @!p0 $0x0  }
0x3f: {  	[sflag:s0] =	ssyncadd.s32 @!p0 s1  }
0x40: {  	[bflag:$0x3] =	sbarrier.arrive $0xFFFF  }
0x41: {  	_ =	shalt  }

</sc_bundles>
